<compile_context>
chip_gen: v7x
topology: tpu7x:2x2x1
jax: 0.10.2.dev20260603
libtpu: 0.0.44.dev20260713+nightly
codegen_flags: <defaults>
</compile_context>

<pallas_src>
import functools

import jax
import jax.numpy as jnp
from jax import lax
from jax.experimental import pallas as pl
from jax.experimental.pallas import tpu as pltpu
from jax.experimental.pallas import tpu_sc as plsc

DT = 0.01

_NC = 2
_NS = 16
_LN = 16


def _softplus(x):
    return jnp.maximum(x, 0.0) + jnp.log1p(jnp.exp(-jnp.abs(x)))


def _edge_encoder(edges, enc_edge):
    (W1, b1), (W2, b2) = enc_edge
    E = edges.shape[0]
    L = W2.shape[0]
    W = 128 * L

    e128 = edges.reshape(E // 128, 128)
    c = jnp.linalg.solve(W2, b2)
    R2 = jnp.zeros((128, W), jnp.float32)
    R2 = R2.at[jnp.arange(128)[:, None],
               jnp.arange(128)[:, None] * L + jnp.arange(L)[None, :]].set(1.0)
    wt = jnp.tile(W1[0], 128)[None, :]
    bt = jnp.tile(b1, 128)[None, :]
    ct = jnp.tile(c, 128)[None, :]

    B128 = 200
    assert (E // 128) % B128 == 0
    grid = (E // 128) // B128

    def body(e_ref, r_ref, wt_ref, bt_ref, ct_ref, o_ref):
        er = jnp.dot(e_ref[...], r_ref[...], preferred_element_type=jnp.float32)
        o_ref[...] = _softplus(er * wt_ref[...] + bt_ref[...]) + ct_ref[...]

    full = lambda s: pl.BlockSpec(s, lambda i: (0, 0))
    out = pl.pallas_call(
        body,
        grid=(grid,),
        in_specs=[
            pl.BlockSpec((B128, 128), lambda i: (i, 0)),
            full((128, W)),
            full((1, W)),
            full((1, W)),
            full((1, W)),
        ],
        out_specs=pl.BlockSpec((B128, W), lambda i: (i, 0)),
        out_shape=jax.ShapeDtypeStruct((E // 128, W), jnp.float32),
    )(e128, R2, wt, bt, ct)
    return out.reshape(E, L)


def _sc_dual_segment_sum(h_e, senders, receivers, n):
    E, L = h_e.shape
    CHB = 4
    CE = CHB * 128
    assert L == _LN and E % CE == 0 and n % _NS == 0
    chunks = E // CE
    kpt = -(-chunks // _NS)
    CH = 200
    assert n % CH == 0
    nch = n // CH
    cpt = -(-nch // _NS)


    mesh = plsc.VectorSubcoreMesh(core_axis_name="c", subcore_axis_name="s")

    @functools.partial(
        pl.kernel,
        out_type=(
            jax.ShapeDtypeStruct((n, L), jnp.float32),
            jax.ShapeDtypeStruct((n, L), jnp.float32),
        ),
        mesh=mesh,
        scratch_types=dict(
            hbuf0=pltpu.VMEM((CE, L), jnp.float32),
            hbuf1=pltpu.VMEM((CE, L), jnp.float32),
            ibuf0=pltpu.VMEM((CE,), jnp.int32),
            ibuf1=pltpu.VMEM((CE,), jnp.int32),
            cbuf=pltpu.VMEM((CH, L), jnp.float32),
            accum=pltpu.VMEM_SHARED((n, L), jnp.float32),
            lsem0=pltpu.SemaphoreType.DMA,
            lsem1=pltpu.SemaphoreType.DMA,
            ssem0=pltpu.SemaphoreType.DMA,
            ssem1=pltpu.SemaphoreType.DMA,
        ),
        compiler_params=pltpu.CompilerParams(use_tc_tiling_on_sc=False),
    )
    def k(h_hbm, s_hbm, r_hbm, out_s, out_r,
          hbuf0, hbuf1, ibuf0, ibuf1, cbuf, accum,
          lsem0, lsem1, ssem0, ssem1):
        c = lax.axis_index("c")
        sid = lax.axis_index("s")
        g0 = sid * kpt
        g1 = jnp.minimum(chunks, g0 + kpt)
        n_my = jnp.maximum(0, g1 - g0)

        c0 = sid * cpt
        c1 = jnp.minimum(nch, c0 + cpt)

        bufs = ((hbuf0, ibuf0, lsem0, ssem0), (hbuf1, ibuf1, lsem1, ssem1))

        def run_pass(idx_hbm, out_hbm):
            def zfill(i, carry):
                cbuf[i, :] = jnp.zeros((L,), jnp.float32)
                return carry

            lax.fori_loop(0, CH, zfill, 0)

            def zbody(j, carry):
                pltpu.sync_copy(cbuf, accum.at[pl.ds(j * CH, CH)])
                return carry

            lax.fori_loop(c0, c1, zbody, 0)
            plsc.subcore_barrier()

            def loads(i, b):
                hb, ib, ls, _ = bufs[b]
                g = g0 + i
                pltpu.async_copy(h_hbm.at[pl.ds(g * CE, CE)], hb, ls)
                pltpu.async_copy(idx_hbm.at[pl.ds(g * CE, CE)], ib, ls)

            def drain_scatters(b):
                hb, ib, _, ss = bufs[b]
                pltpu.make_async_copy(hb, accum.at[ib], ss).wait()

            @pl.when(n_my > 0)
            def _():
                loads(0, 0)

            def process(i, b):
                hb, ib, ls, ss = bufs[b]

                @pl.when(i < n_my)
                def _():
                    g = g0 + i
                    pltpu.make_async_copy(h_hbm.at[pl.ds(g * CE, CE)], hb, ls).wait()
                    pltpu.make_async_copy(idx_hbm.at[pl.ds(g * CE, CE)], ib, ls).wait()

                    @pl.when(i + 1 < n_my)
                    def _():
                        @pl.when(i >= 1)
                        def _():
                            drain_scatters(1 - b)

                        loads(i + 1, 1 - b)

                    pltpu.async_copy(hb, accum.at[ib], ss, add=True)

            def pairbody(q, carry):
                process(2 * q, 0)
                process(2 * q + 1, 1)
                return carry

            lax.fori_loop(0, (kpt + 1) // 2, pairbody, 0)
            @pl.when(n_my >= 1)
            def _():
                drain_scatters((0))

            @pl.when(n_my >= 2)
            def _():
                drain_scatters((1))

            plsc.subcore_barrier()

            def wbody(j, carry):
                pltpu.sync_copy(accum.at[pl.ds(j * CH, CH)], cbuf)
                pltpu.sync_copy(cbuf, out_hbm.at[pl.ds(j * CH, CH)])
                return carry

            lax.fori_loop(c0, c1, wbody, 0)

        @pl.when(c == 0)
        def _():
            run_pass(s_hbm, out_s)

        @pl.when(c == 1)
        def _():
            run_pass(r_hbm, out_r)

    return k(h_e, senders, receivers)


def _node_pipeline(nodes, sentP, recvP, globals_, params):
    N, F = nodes.shape
    L = 16
    P8 = 128 // L
    (eW1, eb1), (eW2, eb2) = params["enc_node"]
    (pW1, pb1), (pW2, pb2) = params["proc_node"]
    (dW1, db1), (dW2, db2), (dW3, db3) = params["dec_node"]
    pA = pW1[:L]
    pB = pW1[L : 2 * L]
    pC = pW1[2 * L : 3 * L]
    pD = pW1[3 * L :]
    g_row = globals_[None, :]
    (_, _), (eW2e, eb2e) = params["enc_edge"]
    eyeP = jnp.eye(P8, dtype=jnp.float32)
    BDB = jnp.kron(eyeP, eW2e @ pB)
    BDC = jnp.kron(eyeP, eW2e @ pC)

    B = 2048
    grid = -(-N // B)

    def body(n_ref, s_ref, r_ref, g_ref,
             ew1, eb1_, ew2, eb2_, pa, bdb, bdc, pd, pb1_, pw2, pb2_,
             dw1, db1_, dw2, db2_, dw3t, db3_, o_ref):
        x = n_ref[...]
        xT = jnp.transpose(x)
        hn = _softplus(jnp.dot(x, ew1[...], preferred_element_type=jnp.float32) + eb1_[...])
        hn = jnp.dot(hn, ew2[...], preferred_element_type=jnp.float32) + eb2_[...]
        cP = (jnp.dot(s_ref[...], bdb[...], preferred_element_type=jnp.float32)
              + jnp.dot(r_ref[...], bdc[...], preferred_element_type=jnp.float32))
        c = jnp.stack([cP[:, L * e : L * (e + 1)] for e in range(P8)], axis=1)
        c = c.reshape(B, L)
        gv = jnp.dot(g_ref[...], pd[...], preferred_element_type=jnp.float32) + pb1_[...]
        t = jnp.dot(hn, pa[...], preferred_element_type=jnp.float32) + c + gv
        h = jnp.dot(_softplus(t), pw2[...], preferred_element_type=jnp.float32) + pb2_[...]
        d = _softplus(jnp.dot(h, dw1[...], preferred_element_type=jnp.float32) + db1_[...])
        d = _softplus(jnp.dot(d, dw2[...], preferred_element_type=jnp.float32) + db2_[...])
        accT = (jnp.dot(dw3t[...], jnp.transpose(d),
                        preferred_element_type=jnp.float32)
                + db3_[...])
        nvT = xT[F - 1 : F] + accT * DT
        npT = xT[0:1] + nvT * DT
        o_ref[...] = jnp.concatenate([npT, xT[2:F], nvT, accT], axis=0)

    full = lambda a: pl.BlockSpec(a.shape, lambda i: tuple(0 for _ in a.shape))
    row2 = lambda v: v[None, :]
    weights = [eW1, row2(eb1), eW2, row2(eb2),
               pA, BDB, BDC, pD, row2(pb1), pW2, row2(pb2),
               dW1, row2(db1), dW2, row2(db2), dW3.T, db3.reshape(1, 1)]
    out = pl.pallas_call(
        body,
        grid=(grid,),
        in_specs=[
            pl.BlockSpec((B, F), lambda i: (i, 0)),
            pl.BlockSpec((B // P8, 128), lambda i: (i, 0)),
            pl.BlockSpec((B // P8, 128), lambda i: (i, 0)),
            full(g_row),
        ] + [full(w) for w in weights],
        out_specs=pl.BlockSpec((F + 1, B), lambda i: (0, i)),
        out_shape=jax.ShapeDtypeStruct((F + 1, N), jnp.float32),
    )(nodes, sentP, recvP, g_row, *weights)
    return out


def kernel(nodes, edges, senders, receivers, globals_, params):
    N = nodes.shape[0]
    h_e = _edge_encoder(edges, params["enc_edge"])
    sent, recv = _sc_dual_segment_sum(h_e, senders, receivers, N)
    outT = _node_pipeline(
        nodes, sent.reshape(N // 8, 128), recv.reshape(N // 8, 128),
        globals_, params)
    next_nodes = outT.T
    next_pos = outT[0]
    next_edges = (next_pos[1:] - next_pos[:-1]).reshape(-1, 1)
    new_globals = jnp.concatenate((globals_[:1] + 1.0, globals_[1:]))
    return next_nodes, next_edges, new_globals

# --- scband reference (transcript-rebuilt; emitter-appended) ---
"""Pipeline reference for scband-graph-net-1176821039670 (READ-ONLY COPY).

The authoritative reference and input builder live on the scoring server;
editing this copy changes nothing except your own understanding.
"""

import jax, jax.numpy as jnp
import numpy as np

N = 100000
E = 3200000
F = 128
L = 16
G = 8
DT = 0.01

def _mlp(x, layers):
    n = len(layers)
    for i, (W, b) in enumerate(layers):
        x = x @ W + b
        if i != n - 1:
            x = jax.nn.softplus(x)
    return x

def _init_mlp(key, sizes):
    layers = []
    for i in range(len(sizes) - 1):
        k1, key = jax.random.split(key)
        W = jax.random.normal(k1, (sizes[i], sizes[i + 1]), jnp.float32) * (1.0 / np.sqrt(sizes[i]))
        b = jnp.zeros((sizes[i + 1],), jnp.float32)
        layers.append((W, b))
    return layers

def setup_inputs(seed: int = 0):
    key = jax.random.key(seed)
    k = jax.random.split(key, 10)
    nodes = jax.random.normal(k[0], (N, F), jnp.float32)
    edges = jax.random.normal(k[1], (E, 1), jnp.float32)
    senders = jax.random.randint(k[2], (E,), 0, N, dtype=jnp.int32)
    receivers = jax.random.randint(k[3], (E,), 0, N, dtype=jnp.int32)
    globals_ = jax.random.uniform(k[4], (G,), dtype=jnp.float32)
    params = {
        'enc_node': _init_mlp(k[5], [F, L, L]),
        'enc_edge': _init_mlp(k[6], [1, L, L]),
        'proc_node': _init_mlp(k[7], [3 * L + G, L, L]),
        'dec_node': _init_mlp(k[8], [L, L, L, 1]),
        'dec_edge': _init_mlp(k[9], [L, L, L, 1]),
    }
    return {'nodes': nodes, 'edges': edges, 'senders': senders, 'receivers': receivers, 'globals_': globals_, 'params': params}

def reference(nodes, edges, senders, receivers, globals_, params):
    # saved state for integrator (prediction='acceleration')
    cur_pos = nodes[:, 0].reshape(-1)
    cur_vel = nodes[:, -1].reshape(-1)
    prev_vel = nodes[:, 1:]
    # --- encoder: GraphMapFeatures with node/edge MLPs ---
    h_n = _mlp(nodes, params['enc_node'])
    h_e = _mlp(edges, params['enc_edge'])
    # --- processor: 1 jraph.GraphNetwork step, update_edge_fn=None ---
    sent = jax.ops.segment_sum(h_e, senders, num_segments=N)
    recv = jax.ops.segment_sum(h_e, receivers, num_segments=N)
    g_b = jnp.tile(globals_[None, :], (N, 1))
    h_n = _mlp(jnp.concatenate((h_n, sent, recv, g_b), axis=1), params['proc_node'])
    # update_global_fn: increment time, keep static params
    new_globals = jnp.concatenate((jnp.array([globals_[0] + 1.0]), globals_[1:]))
    # --- decoder ---
    dec_n = _mlp(h_n, params['dec_node'])
    dec_e = _mlp(h_e, params['dec_edge'])  # computed by module, then overwritten by postprocessor
    # --- decoder_postprocessor: semi-implicit euler, no layer_norm ---
    pred_acc = dec_n.reshape(-1)
    next_vel = cur_vel + pred_acc * DT
    next_pos = cur_pos + next_vel * DT
    next_nodes = jnp.column_stack((next_pos, prev_vel[:, 1:], next_vel, pred_acc))
    next_edges = jnp.diff(next_pos).reshape(-1, 1)
    return next_nodes, next_edges, new_globals

if __name__ == "__main__":
    import jax
    _d = setup_inputs()
    print(jax.jit(kernel)(*tuple(_d.values())))

</pallas_src>

<mosaic_0001>
#map = affine_map<(d0, d1) -> (0, 0)>
#map1 = affine_map<(d0, d1) -> (0)>
module attributes {stable_mosaic.version = 14 : i64} {
  func.func @k(%arg0: i32, %arg1: i32, %arg2: memref<3200000x16xf32, #tpu.memory_space<hbm>>, %arg3: memref<3200000xi32, #tpu.memory_space<hbm>>, %arg4: memref<3200000xi32, #tpu.memory_space<hbm>>, %arg5: memref<100000x16xf32, #tpu.memory_space<hbm>>, %arg6: memref<100000x16xf32, #tpu.memory_space<hbm>>, %arg7: memref<100000x16xf32, #tpu.memory_space<vmem_shared>>, %arg8: memref<200x16xf32, #tpu.memory_space<vmem>>, %arg9: memref<512x16xf32, #tpu.memory_space<vmem>>, %arg10: memref<512x16xf32, #tpu.memory_space<vmem>>, %arg11: memref<512xi32, #tpu.memory_space<vmem>>, %arg12: memref<512xi32, #tpu.memory_space<vmem>>, %arg13: memref<!tpu.dma_semaphore, #tpu.memory_space<semaphore_mem>>, %arg14: memref<!tpu.dma_semaphore, #tpu.memory_space<semaphore_mem>>, %arg15: memref<!tpu.dma_semaphore, #tpu.memory_space<semaphore_mem>>, %arg16: memref<!tpu.dma_semaphore, #tpu.memory_space<semaphore_mem>>) attributes {dimension_semantics = [#tpu.dimension_semantics<core_parallel>, #tpu.dimension_semantics<subcore_parallel>], iteration_bounds = array<i64: 2, 16>, scalar_prefetch = 0 : i64, scratch_operands = 10 : i64, tpu.core_type = #tpu.core_type<sc_vector_subcore>, window_params = [{transform_indices = #map}, {transform_indices = #map1}, {transform_indices = #map1}, {transform_indices = #map}, {transform_indices = #map}]} {
    %mul3A = arith.constant 391 : i32
    %mul3A_0 = arith.muli %arg1, %mul3A : i32
    %add3A = arith.constant 391 : i32
    %add3A_1 = arith.addi %mul3A_0, %add3A : i32
    %min3A = arith.constant 6250 : i32
    %min3A_2 = arith.minsi %min3A, %add3A_1 : i32
    %sub3A = arith.subi %min3A_2, %mul3A_0 : i32
    %max3A = arith.constant 0 : i32
    %max3A_3 = arith.maxsi %max3A, %sub3A : i32
    %mul3A_4 = arith.constant 32 : i32
    %mul3A_5 = arith.muli %arg1, %mul3A_4 : i32
    %add3A_6 = arith.constant 32 : i32
    %add3A_7 = arith.addi %mul3A_5, %add3A_6 : i32
    %min3A_8 = arith.constant 500 : i32
    %min3A_9 = arith.minsi %min3A_8, %add3A_7 : i32
    %eq3A = arith.constant 0 : i32
    %eq3A_10 = arith.cmpi eq, %arg0, %eq3A : i32
    %convert_element_type3A = arith.extui %eq3A_10 : i1 to i32
    %cond3A = arith.constant 0 : i32
    %cond3A_11 = arith.cmpi ne, %convert_element_type3A, %cond3A : i32
    scf.if %cond3A_11 {
      %scan3A = arith.constant 0 : i32
      %scan3A_17 = arith.constant 0 : i32
      %scan3A_18 = arith.constant 200 : i32
      %scan3A_19 = arith.addi %scan3A_17, %scan3A_18 : i32
      %scan3A_20 = arith.constant 1 : i32
      scf.for %scan3A_59 = %scan3A_17 to %scan3A_19 step %scan3A_20  : i32 {
        %broadcast_in_dim3A = arith.constant 0.000000e+00 : f32
        %broadcast_in_dim3A_60 = vector.broadcast %broadcast_in_dim3A : f32 to vector<16xf32>
        %swap3A = arith.index_cast %scan3A_59 : i32 to index
        %swap3A_61 = arith.constant 0 : index
        %swap3A_62 = tpu.vector_load %arg8[%swap3A, %swap3A_61] {strides = array<i32>} : memref<200x16xf32, #tpu.memory_space<vmem>>, vector<1x16xf32>,
        %swap3A_63 = vector.shape_cast %swap3A_62 : vector<1x16xf32> to vector<16xf32>
        %swap3A_64 = vector.shape_cast %broadcast_in_dim3A_60 : vector<16xf32> to vector<1x16xf32>
        tpu.vector_store %arg8[%swap3A, %swap3A_61], %swap3A_64 {strides = array<i32>} : memref<200x16xf32, #tpu.memory_space<vmem>>, vector<1x16xf32>,
      }
      %scan3A_21 = arith.constant 200 : i32
      %while3A = arith.constant 0 : i32
      %while3A_22 = arith.subi %min3A_9, %mul3A_5 : i32
      %while3A_23 = arith.addi %mul3A_5, %while3A_22 : i32
      %while3A_24 = arith.constant 1 : i32
      %while3A_25 = arith.divsi %while3A_22, %while3A_24 : i32
      %while3A_26 = arith.muli %while3A_25, %while3A_24 : i32
      %while3A_27 = arith.addi %mul3A_5, %while3A_26 : i32
      %while3A_28 = arith.constant 1 : i32
      scf.for %while3A_59 = %mul3A_5 to %while3A_27 step %while3A_28  : i32 {
        %mul3A_60 = arith.constant 200 : i32
        %mul3A_61 = arith.muli %while3A_59, %mul3A_60 : i32
        "tpu.region"() ({
          %run_scoped3A = tpu.sem_alloc : memref<!tpu.dma_semaphore, #tpu.memory_space<semaphore_mem>>
          %dma_start3A = arith.constant 0 : i32
          %dma_start3A_62 = tpu.memref_slice %arg7[%mul3A_61, %dma_start3A] : memref<100000x16xf32, #tpu.memory_space<vmem_shared>> -> memref<200x16xf32, #tpu.memory_space<vmem_shared>>
          %dma_start3A_63 = arith.constant 0 : i32
          %dma_start3A_64 = tpu.memref_slice %arg7[%mul3A_61, %dma_start3A_63] : memref<100000x16xf32, #tpu.memory_space<vmem_shared>> -> memref<200x16xf32, #tpu.memory_space<vmem_shared>>
          tpu.enqueue_dma source(%arg8 : memref<200x16xf32, #tpu.memory_space<vmem>>) target(%dma_start3A_64 : memref<200x16xf32, #tpu.memory_space<vmem_shared>>) target_semaphore(%run_scoped3A : memref<!tpu.dma_semaphore, #tpu.memory_space<semaphore_mem>>)
          %dma_wait3A = arith.constant 0 : i32
          %dma_wait3A_65 = tpu.memref_slice %arg7[%mul3A_61, %dma_wait3A] : memref<100000x16xf32, #tpu.memory_space<vmem_shared>> -> memref<200x16xf32, #tpu.memory_space<vmem_shared>>
          %dma_wait3A_66 = arith.constant 0 : i32
          %dma_wait3A_67 = tpu.memref_slice %arg7[%mul3A_61, %dma_wait3A_66] : memref<100000x16xf32, #tpu.memory_space<vmem_shared>> -> memref<200x16xf32, #tpu.memory_space<vmem_shared>>
          tpu.wait_dma2 semaphore(%run_scoped3A : memref<!tpu.dma_semaphore, #tpu.memory_space<semaphore_mem>>) src(%arg8 : memref<200x16xf32, #tpu.memory_space<vmem>>) dst(%dma_wait3A_67 : memref<200x16xf32, #tpu.memory_space<vmem_shared>>)
          tpu.yield
        }) : () -> ()
      }
      %while3A_29 = arith.constant 1 : i32
      scf.for %while3A_59 = %while3A_27 to %while3A_23 step %while3A_29  : i32 {
        %mul3A_60 = arith.constant 200 : i32
        %mul3A_61 = arith.muli %while3A_59, %mul3A_60 : i32
        "tpu.region"() ({
          %run_scoped3A = tpu.sem_alloc : memref<!tpu.dma_semaphore, #tpu.memory_space<semaphore_mem>>
          %dma_start3A = arith.constant 0 : i32
          %dma_start3A_62 = tpu.memref_slice %arg7[%mul3A_61, %dma_start3A] : memref<100000x16xf32, #tpu.memory_space<vmem_shared>> -> memref<200x16xf32, #tpu.memory_space<vmem_shared>>
          %dma_start3A_63 = arith.constant 0 : i32
          %dma_start3A_64 = tpu.memref_slice %arg7[%mul3A_61, %dma_start3A_63] : memref<100000x16xf32, #tpu.memory_space<vmem_shared>> -> memref<200x16xf32, #tpu.memory_space<vmem_shared>>
          tpu.enqueue_dma source(%arg8 : memref<200x16xf32, #tpu.memory_space<vmem>>) target(%dma_start3A_64 : memref<200x16xf32, #tpu.memory_space<vmem_shared>>) target_semaphore(%run_scoped3A : memref<!tpu.dma_semaphore, #tpu.memory_space<semaphore_mem>>)
          %dma_wait3A = arith.constant 0 : i32
          %dma_wait3A_65 = tpu.memref_slice %arg7[%mul3A_61, %dma_wait3A] : memref<100000x16xf32, #tpu.memory_space<vmem_shared>> -> memref<200x16xf32, #tpu.memory_space<vmem_shared>>
          %dma_wait3A_66 = arith.constant 0 : i32
          %dma_wait3A_67 = tpu.memref_slice %arg7[%mul3A_61, %dma_wait3A_66] : memref<100000x16xf32, #tpu.memory_space<vmem_shared>> -> memref<200x16xf32, #tpu.memory_space<vmem_shared>>
          tpu.wait_dma2 semaphore(%run_scoped3A : memref<!tpu.dma_semaphore, #tpu.memory_space<semaphore_mem>>) src(%arg8 : memref<200x16xf32, #tpu.memory_space<vmem>>) dst(%dma_wait3A_67 : memref<200x16xf32, #tpu.memory_space<vmem_shared>>)
          tpu.yield
        }) : () -> ()
      }
      %barrier3A = arith.constant 0 : index
      tpu.barrier barrier_id(%barrier3A)
      %gt3A = arith.constant 0 : i32
      %gt3A_30 = arith.cmpi sgt, %max3A_3, %gt3A : i32
      %convert_element_type3A_31 = arith.extui %gt3A_30 : i1 to i32
      %cond3A_32 = arith.constant 0 : i32
      %cond3A_33 = arith.cmpi ne, %convert_element_type3A_31, %cond3A_32 : i32
      scf.if %cond3A_33 {
        %add3A_59 = arith.constant 0 : i32
        %add3A_60 = arith.addi %mul3A_0, %add3A_59 : i32
        %mul3A_61 = arith.constant 512 : i32
        %mul3A_62 = arith.muli %add3A_60, %mul3A_61 : i32
        %dma_start3A = arith.constant 0 : i32
        %dma_start3A_63 = tpu.memref_slice %arg2[%mul3A_62, %dma_start3A] : memref<3200000x16xf32, #tpu.memory_space<hbm>> -> memref<512x16xf32, #tpu.memory_space<hbm>>
        %dma_start3A_64 = arith.constant 0 : i32
        %dma_start3A_65 = tpu.memref_slice %arg2[%mul3A_62, %dma_start3A_64] : memref<3200000x16xf32, #tpu.memory_space<hbm>> -> memref<512x16xf32, #tpu.memory_space<hbm>>
        tpu.enqueue_dma source(%dma_start3A_65 : memref<512x16xf32, #tpu.memory_space<hbm>>) target(%arg9 : memref<512x16xf32, #tpu.memory_space<vmem>>) target_semaphore(%arg13 : memref<!tpu.dma_semaphore, #tpu.memory_space<semaphore_mem>>)
        %mul3A_66 = arith.constant 512 : i32
        %mul3A_67 = arith.muli %add3A_60, %mul3A_66 : i32
        %dma_start3A_68 = tpu.memref_slice %arg3[%mul3A_67] : memref<3200000xi32, #tpu.memory_space<hbm>> -> memref<512xi32, #tpu.memory_space<hbm>>
        %dma_start3A_69 = tpu.memref_slice %arg3[%mul3A_67] : memref<3200000xi32, #tpu.memory_space<hbm>> -> memref<512xi32, #tpu.memory_space<hbm>>
        tpu.enqueue_dma source(%dma_start3A_69 : memref<512xi32, #tpu.memory_space<hbm>>) target(%arg11 : memref<512xi32, #tpu.memory_space<vmem>>) target_semaphore(%arg13 : memref<!tpu.dma_semaphore, #tpu.memory_space<semaphore_mem>>)
      } else {
      }
      %scan3A_34 = arith.constant 0 : i32
      %scan3A_35 = arith.constant 0 : i32
      %scan3A_36 = arith.constant 196 : i32
      %scan3A_37 = arith.addi %scan3A_35, %scan3A_36 : i32
      %scan3A_38 = arith.constant 1 : i32
      scf.for %scan3A_59 = %scan3A_35 to %scan3A_37 step %scan3A_38  : i32 {
        %mul3A_60 = arith.constant 2 : i32
        %mul3A_61 = arith.muli %mul3A_60, %scan3A_59 : i32
        %lt3A = arith.cmpi slt, %mul3A_61, %max3A_3 : i32
        %convert_element_type3A_62 = arith.extui %lt3A : i1 to i32
        %cond3A_63 = arith.constant 0 : i32
        %cond3A_64 = arith.cmpi ne, %convert_element_type3A_62, %cond3A_63 : i32
        scf.if %cond3A_64 {
          %add3A_73 = arith.addi %mul3A_0, %mul3A_61 : i32
          %mul3A_74 = arith.constant 512 : i32
          %mul3A_75 = arith.muli %add3A_73, %mul3A_74 : i32
          %dma_wait3A = arith.constant 0 : i32
          %dma_wait3A_76 = tpu.memref_slice %arg2[%mul3A_75, %dma_wait3A] : memref<3200000x16xf32, #tpu.memory_space<hbm>> -> memref<512x16xf32, #tpu.memory_space<hbm>>
          %dma_wait3A_77 = arith.constant 0 : i32
          %dma_wait3A_78 = tpu.memref_slice %arg2[%mul3A_75, %dma_wait3A_77] : memref<3200000x16xf32, #tpu.memory_space<hbm>> -> memref<512x16xf32, #tpu.memory_space<hbm>>
          tpu.wait_dma2 semaphore(%arg13 : memref<!tpu.dma_semaphore, #tpu.memory_space<semaphore_mem>>) src(%dma_wait3A_78 : memref<512x16xf32, #tpu.memory_space<hbm>>) dst(%arg9 : memref<512x16xf32, #tpu.memory_space<vmem>>)
          %mul3A_79 = arith.constant 512 : i32
          %mul3A_80 = arith.muli %add3A_73, %mul3A_79 : i32
          %dma_wait3A_81 = tpu.memref_slice %arg3[%mul3A_80] : memref<3200000xi32, #tpu.memory_space<hbm>> -> memref<512xi32, #tpu.memory_space<hbm>>
          %dma_wait3A_82 = tpu.memref_slice %arg3[%mul3A_80] : memref<3200000xi32, #tpu.memory_space<hbm>> -> memref<512xi32, #tpu.memory_space<hbm>>
          tpu.wait_dma2 semaphore(%arg13 : memref<!tpu.dma_semaphore, #tpu.memory_space<semaphore_mem>>) src(%dma_wait3A_82 : memref<512xi32, #tpu.memory_space<hbm>>) dst(%arg11 : memref<512xi32, #tpu.memory_space<vmem>>)
          %add3A_83 = arith.constant 1 : i32
          %add3A_84 = arith.addi %mul3A_61, %add3A_83 : i32
          %lt3A_85 = arith.cmpi slt, %add3A_84, %max3A_3 : i32
          %convert_element_type3A_86 = arith.extui %lt3A_85 : i1 to i32
          %cond3A_87 = arith.constant 0 : i32
          %cond3A_88 = arith.cmpi ne, %convert_element_type3A_86, %cond3A_87 : i32
          scf.if %cond3A_88 {
            %ge3A_91 = arith.constant 1 : i32
            %ge3A_92 = arith.cmpi sge, %mul3A_61, %ge3A_91 : i32
            %convert_element_type3A_93 = arith.extui %ge3A_92 : i1 to i32
            %cond3A_94 = arith.constant 0 : i32
            %cond3A_95 = arith.cmpi ne, %convert_element_type3A_93, %cond3A_94 : i32
            scf.if %cond3A_95 {
              %dma_wait3A_109 = arith.constant 0 : i32
              %dma_wait3A_110 = arith.constant 0 : i32
              %dma_wait3A_111 = tpu.memref_slice %arg7[%dma_wait3A_109, %dma_wait3A_110] : memref<100000x16xf32, #tpu.memory_space<vmem_shared>> -> memref<100000x16xf32, #tpu.memory_space<vmem_shared>>
              tpu.wait_indirect_dma semaphore(%arg16 : memref<!tpu.dma_semaphore, #tpu.memory_space<semaphore_mem>>) src(%arg10 : memref<512x16xf32, #tpu.memory_space<vmem>>) dst(%dma_wait3A_111 : memref<100000x16xf32, #tpu.memory_space<vmem_shared>>)
            } else {
            }
            %add3A_96 = arith.constant 1 : i32
            %add3A_97 = arith.addi %mul3A_61, %add3A_96 : i32
            %add3A_98 = arith.addi %mul3A_0, %add3A_97 : i32
            %mul3A_99 = arith.constant 512 : i32
            %mul3A_100 = arith.muli %add3A_98, %mul3A_99 : i32
            %dma_start3A_101 = arith.constant 0 : i32
            %dma_start3A_102 = tpu.memref_slice %arg2[%mul3A_100, %dma_start3A_101] : memref<3200000x16xf32, #tpu.memory_space<hbm>> -> memref<512x16xf32, #tpu.memory_space<hbm>>
            %dma_start3A_103 = arith.constant 0 : i32
            %dma_start3A_104 = tpu.memref_slice %arg2[%mul3A_100, %dma_start3A_103] : memref<3200000x16xf32, #tpu.memory_space<hbm>> -> memref<512x16xf32, #tpu.memory_space<hbm>>
            tpu.enqueue_dma source(%dma_start3A_104 : memref<512x16xf32, #tpu.memory_space<hbm>>) target(%arg10 : memref<512x16xf32, #tpu.memory_space<vmem>>) target_semaphore(%arg14 : memref<!tpu.dma_semaphore, #tpu.memory_space<semaphore_mem>>)
            %mul3A_105 = arith.constant 512 : i32
            %mul3A_106 = arith.muli %add3A_98, %mul3A_105 : i32
            %dma_start3A_107 = tpu.memref_slice %arg3[%mul3A_106] : memref<3200000xi32, #tpu.memory_space<hbm>> -> memref<512xi32, #tpu.memory_space<hbm>>
            %dma_start3A_108 = tpu.memref_slice %arg3[%mul3A_106] : memref<3200000xi32, #tpu.memory_space<hbm>> -> memref<512xi32, #tpu.memory_space<hbm>>
            tpu.enqueue_dma source(%dma_start3A_108 : memref<512xi32, #tpu.memory_space<hbm>>) target(%arg12 : memref<512xi32, #tpu.memory_space<vmem>>) target_semaphore(%arg14 : memref<!tpu.dma_semaphore, #tpu.memory_space<semaphore_mem>>)
          } else {
          }
          %dma_start3A = arith.constant 0 : i32
          %dma_start3A_89 = arith.constant 0 : i32
          %dma_start3A_90 = tpu.memref_slice %arg7[%dma_start3A, %dma_start3A_89] : memref<100000x16xf32, #tpu.memory_space<vmem_shared>> -> memref<100000x16xf32, #tpu.memory_space<vmem_shared>>
          tpu.enqueue_indirect_dma source(%arg9 : memref<512x16xf32, #tpu.memory_space<vmem>>) target(%dma_start3A_90 : memref<100000x16xf32, #tpu.memory_space<vmem_shared>>) offsets(%arg11 : memref<512xi32, #tpu.memory_space<vmem>>) semaphore(%arg15 : memref<!tpu.dma_semaphore, #tpu.memory_space<semaphore_mem>>) {add = true}
        } else {
        }
        %mul3A_65 = arith.constant 2 : i32
        %mul3A_66 = arith.muli %mul3A_65, %scan3A_59 : i32
        %add3A_67 = arith.constant 1 : i32
        %add3A_68 = arith.addi %mul3A_66, %add3A_67 : i32
        %lt3A_69 = arith.cmpi slt, %add3A_68, %max3A_3 : i32
        %convert_element_type3A_70 = arith.extui %lt3A_69 : i1 to i32
        %cond3A_71 = arith.constant 0 : i32
        %cond3A_72 = arith.cmpi ne, %convert_element_type3A_70, %cond3A_71 : i32
        scf.if %cond3A_72 {
          %add3A_73 = arith.addi %mul3A_0, %add3A_68 : i32
          %mul3A_74 = arith.constant 512 : i32
          %mul3A_75 = arith.muli %add3A_73, %mul3A_74 : i32
          %dma_wait3A = arith.constant 0 : i32
          %dma_wait3A_76 = tpu.memref_slice %arg2[%mul3A_75, %dma_wait3A] : memref<3200000x16xf32, #tpu.memory_space<hbm>> -> memref<512x16xf32, #tpu.memory_space<hbm>>
          %dma_wait3A_77 = arith.constant 0 : i32
          %dma_wait3A_78 = tpu.memref_slice %arg2[%mul3A_75, %dma_wait3A_77] : memref<3200000x16xf32, #tpu.memory_space<hbm>> -> memref<512x16xf32, #tpu.memory_space<hbm>>
          tpu.wait_dma2 semaphore(%arg14 : memref<!tpu.dma_semaphore, #tpu.memory_space<semaphore_mem>>) src(%dma_wait3A_78 : memref<512x16xf32, #tpu.memory_space<hbm>>) dst(%arg10 : memref<512x16xf32, #tpu.memory_space<vmem>>)
          %mul3A_79 = arith.constant 512 : i32
          %mul3A_80 = arith.muli %add3A_73, %mul3A_79 : i32
          %dma_wait3A_81 = tpu.memref_slice %arg3[%mul3A_80] : memref<3200000xi32, #tpu.memory_space<hbm>> -> memref<512xi32, #tpu.memory_space<hbm>>
          %dma_wait3A_82 = tpu.memref_slice %arg3[%mul3A_80] : memref<3200000xi32, #tpu.memory_space<hbm>> -> memref<512xi32, #tpu.memory_space<hbm>>
          tpu.wait_dma2 semaphore(%arg14 : memref<!tpu.dma_semaphore, #tpu.memory_space<semaphore_mem>>) src(%dma_wait3A_82 : memref<512xi32, #tpu.memory_space<hbm>>) dst(%arg12 : memref<512xi32, #tpu.memory_space<vmem>>)
          %add3A_83 = arith.constant 1 : i32
          %add3A_84 = arith.addi %add3A_68, %add3A_83 : i32
          %lt3A_85 = arith.cmpi slt, %add3A_84, %max3A_3 : i32
          %convert_element_type3A_86 = arith.extui %lt3A_85 : i1 to i32
          %cond3A_87 = arith.constant 0 : i32
          %cond3A_88 = arith.cmpi ne, %convert_element_type3A_86, %cond3A_87 : i32
          scf.if %cond3A_88 {
            %ge3A_91 = arith.constant 1 : i32
            %ge3A_92 = arith.cmpi sge, %add3A_68, %ge3A_91 : i32
            %convert_element_type3A_93 = arith.extui %ge3A_92 : i1 to i32
            %cond3A_94 = arith.constant 0 : i32
            %cond3A_95 = arith.cmpi ne, %convert_element_type3A_93, %cond3A_94 : i32
            scf.if %cond3A_95 {
              %dma_wait3A_109 = arith.constant 0 : i32
              %dma_wait3A_110 = arith.constant 0 : i32
              %dma_wait3A_111 = tpu.memref_slice %arg7[%dma_wait3A_109, %dma_wait3A_110] : memref<100000x16xf32, #tpu.memory_space<vmem_shared>> -> memref<100000x16xf32, #tpu.memory_space<vmem_shared>>
              tpu.wait_indirect_dma semaphore(%arg15 : memref<!tpu.dma_semaphore, #tpu.memory_space<semaphore_mem>>) src(%arg9 : memref<512x16xf32, #tpu.memory_space<vmem>>) dst(%dma_wait3A_111 : memref<100000x16xf32, #tpu.memory_space<vmem_shared>>)
            } else {
            }
            %add3A_96 = arith.constant 1 : i32
            %add3A_97 = arith.addi %add3A_68, %add3A_96 : i32
            %add3A_98 = arith.addi %mul3A_0, %add3A_97 : i32
            %mul3A_99 = arith.constant 512 : i32
            %mul3A_100 = arith.muli %add3A_98, %mul3A_99 : i32
            %dma_start3A_101 = arith.constant 0 : i32
            %dma_start3A_102 = tpu.memref_slice %arg2[%mul3A_100, %dma_start3A_101] : memref<3200000x16xf32, #tpu.memory_space<hbm>> -> memref<512x16xf32, #tpu.memory_space<hbm>>
            %dma_start3A_103 = arith.constant 0 : i32
            %dma_start3A_104 = tpu.memref_slice %arg2[%mul3A_100, %dma_start3A_103] : memref<3200000x16xf32, #tpu.memory_space<hbm>> -> memref<512x16xf32, #tpu.memory_space<hbm>>
            tpu.enqueue_dma source(%dma_start3A_104 : memref<512x16xf32, #tpu.memory_space<hbm>>) target(%arg9 : memref<512x16xf32, #tpu.memory_space<vmem>>) target_semaphore(%arg13 : memref<!tpu.dma_semaphore, #tpu.memory_space<semaphore_mem>>)
            %mul3A_105 = arith.constant 512 : i32
            %mul3A_106 = arith.muli %add3A_98, %mul3A_105 : i32
            %dma_start3A_107 = tpu.memref_slice %arg3[%mul3A_106] : memref<3200000xi32, #tpu.memory_space<hbm>> -> memref<512xi32, #tpu.memory_space<hbm>>
            %dma_start3A_108 = tpu.memref_slice %arg3[%mul3A_106] : memref<3200000xi32, #tpu.memory_space<hbm>> -> memref<512xi32, #tpu.memory_space<hbm>>
            tpu.enqueue_dma source(%dma_start3A_108 : memref<512xi32, #tpu.memory_space<hbm>>) target(%arg11 : memref<512xi32, #tpu.memory_space<vmem>>) target_semaphore(%arg13 : memref<!tpu.dma_semaphore, #tpu.memory_space<semaphore_mem>>)
          } else {
          }
          %dma_start3A = arith.constant 0 : i32
          %dma_start3A_89 = arith.constant 0 : i32
          %dma_start3A_90 = tpu.memref_slice %arg7[%dma_start3A, %dma_start3A_89] : memref<100000x16xf32, #tpu.memory_space<vmem_shared>> -> memref<100000x16xf32, #tpu.memory_space<vmem_shared>>
          tpu.enqueue_indirect_dma source(%arg10 : memref<512x16xf32, #tpu.memory_space<vmem>>) target(%dma_start3A_90 : memref<100000x16xf32, #tpu.memory_space<vmem_shared>>) offsets(%arg12 : memref<512xi32, #tpu.memory_space<vmem>>) semaphore(%arg16 : memref<!tpu.dma_semaphore, #tpu.memory_space<semaphore_mem>>) {add = true}
        } else {
        }
      }
      %scan3A_39 = arith.constant 196 : i32
      %ge3A = arith.constant 1 : i32
      %ge3A_40 = arith.cmpi sge, %max3A_3, %ge3A : i32
      %convert_element_type3A_41 = arith.extui %ge3A_40 : i1 to i32
      %cond3A_42 = arith.constant 0 : i32
      %cond3A_43 = arith.cmpi ne, %convert_element_type3A_41, %cond3A_42 : i32
      scf.if %cond3A_43 {
        %dma_wait3A = arith.constant 0 : i32
        %dma_wait3A_59 = arith.constant 0 : i32
        %dma_wait3A_60 = tpu.memref_slice %arg7[%dma_wait3A, %dma_wait3A_59] : memref<100000x16xf32, #tpu.memory_space<vmem_shared>> -> memref<100000x16xf32, #tpu.memory_space<vmem_shared>>
        tpu.wait_indirect_dma semaphore(%arg15 : memref<!tpu.dma_semaphore, #tpu.memory_space<semaphore_mem>>) src(%arg9 : memref<512x16xf32, #tpu.memory_space<vmem>>) dst(%dma_wait3A_60 : memref<100000x16xf32, #tpu.memory_space<vmem_shared>>)
      } else {
      }
      %ge3A_44 = arith.constant 2 : i32
      %ge3A_45 = arith.cmpi sge, %max3A_3, %ge3A_44 : i32
      %convert_element_type3A_46 = arith.extui %ge3A_45 : i1 to i32
      %cond3A_47 = arith.constant 0 : i32
      %cond3A_48 = arith.cmpi ne, %convert_element_type3A_46, %cond3A_47 : i32
      scf.if %cond3A_48 {
        %dma_wait3A = arith.constant 0 : i32
        %dma_wait3A_59 = arith.constant 0 : i32
        %dma_wait3A_60 = tpu.memref_slice %arg7[%dma_wait3A, %dma_wait3A_59] : memref<100000x16xf32, #tpu.memory_space<vmem_shared>> -> memref<100000x16xf32, #tpu.memory_space<vmem_shared>>
        tpu.wait_indirect_dma semaphore(%arg16 : memref<!tpu.dma_semaphore, #tpu.memory_space<semaphore_mem>>) src(%arg10 : memref<512x16xf32, #tpu.memory_space<vmem>>) dst(%dma_wait3A_60 : memref<100000x16xf32, #tpu.memory_space<vmem_shared>>)
      } else {
      }
      %barrier3A_49 = arith.constant 0 : index
      tpu.barrier barrier_id(%barrier3A_49)
      %while3A_50 = arith.constant 0 : i32
      %while3A_51 = arith.subi %min3A_9, %mul3A_5 : i32
      %while3A_52 = arith.addi %mul3A_5, %while3A_51 : i32
      %while3A_53 = arith.constant 1 : i32
      %while3A_54 = arith.divsi %while3A_51, %while3A_53 : i32
      %while3A_55 = arith.muli %while3A_54, %while3A_53 : i32
      %while3A_56 = arith.addi %mul3A_5, %while3A_55 : i32
      %while3A_57 = arith.constant 1 : i32
      scf.for %while3A_59 = %mul3A_5 to %while3A_56 step %while3A_57  : i32 {
        %mul3A_60 = arith.constant 200 : i32
        %mul3A_61 = arith.muli %while3A_59, %mul3A_60 : i32
        "tpu.region"() ({
          %run_scoped3A = tpu.sem_alloc : memref<!tpu.dma_semaphore, #tpu.memory_space<semaphore_mem>>
          %dma_start3A = arith.constant 0 : i32
          %dma_start3A_64 = tpu.memref_slice %arg7[%mul3A_61, %dma_start3A] : memref<100000x16xf32, #tpu.memory_space<vmem_shared>> -> memref<200x16xf32, #tpu.memory_space<vmem_shared>>
          %dma_start3A_65 = arith.constant 0 : i32
          %dma_start3A_66 = tpu.memref_slice %arg7[%mul3A_61, %dma_start3A_65] : memref<100000x16xf32, #tpu.memory_space<vmem_shared>> -> memref<200x16xf32, #tpu.memory_space<vmem_shared>>
          tpu.enqueue_dma source(%dma_start3A_66 : memref<200x16xf32, #tpu.memory_space<vmem_shared>>) target(%arg8 : memref<200x16xf32, #tpu.memory_space<vmem>>) target_semaphore(%run_scoped3A : memref<!tpu.dma_semaphore, #tpu.memory_space<semaphore_mem>>)
          %dma_wait3A = arith.constant 0 : i32
          %dma_wait3A_67 = tpu.memref_slice %arg7[%mul3A_61, %dma_wait3A] : memref<100000x16xf32, #tpu.memory_space<vmem_shared>> -> memref<200x16xf32, #tpu.memory_space<vmem_shared>>
          %dma_wait3A_68 = arith.constant 0 : i32
          %dma_wait3A_69 = tpu.memref_slice %arg7[%mul3A_61, %dma_wait3A_68] : memref<100000x16xf32, #tpu.memory_space<vmem_shared>> -> memref<200x16xf32, #tpu.memory_space<vmem_shared>>
          tpu.wait_dma2 semaphore(%run_scoped3A : memref<!tpu.dma_semaphore, #tpu.memory_space<semaphore_mem>>) src(%dma_wait3A_69 : memref<200x16xf32, #tpu.memory_space<vmem_shared>>) dst(%arg8 : memref<200x16xf32, #tpu.memory_space<vmem>>)
          tpu.yield
        }) : () -> ()
        %mul3A_62 = arith.constant 200 : i32
        %mul3A_63 = arith.muli %while3A_59, %mul3A_62 : i32
        "tpu.region"() ({
          %run_scoped3A = tpu.sem_alloc : memref<!tpu.dma_semaphore, #tpu.memory_space<semaphore_mem>>
          %dma_start3A = arith.constant 0 : i32
          %dma_start3A_64 = tpu.memref_slice %arg5[%mul3A_63, %dma_start3A] : memref<100000x16xf32, #tpu.memory_space<hbm>> -> memref<200x16xf32, #tpu.memory_space<hbm>>
          %dma_start3A_65 = arith.constant 0 : i32
          %dma_start3A_66 = tpu.memref_slice %arg5[%mul3A_63, %dma_start3A_65] : memref<100000x16xf32, #tpu.memory_space<hbm>> -> memref<200x16xf32, #tpu.memory_space<hbm>>
          tpu.enqueue_dma source(%arg8 : memref<200x16xf32, #tpu.memory_space<vmem>>) target(%dma_start3A_66 : memref<200x16xf32, #tpu.memory_space<hbm>>) target_semaphore(%run_scoped3A : memref<!tpu.dma_semaphore, #tpu.memory_space<semaphore_mem>>)
          %dma_wait3A = arith.constant 0 : i32
          %dma_wait3A_67 = tpu.memref_slice %arg5[%mul3A_63, %dma_wait3A] : memref<100000x16xf32, #tpu.memory_space<hbm>> -> memref<200x16xf32, #tpu.memory_space<hbm>>
          %dma_wait3A_68 = arith.constant 0 : i32
          %dma_wait3A_69 = tpu.memref_slice %arg5[%mul3A_63, %dma_wait3A_68] : memref<100000x16xf32, #tpu.memory_space<hbm>> -> memref<200x16xf32, #tpu.memory_space<hbm>>
          tpu.wait_dma2 semaphore(%run_scoped3A : memref<!tpu.dma_semaphore, #tpu.memory_space<semaphore_mem>>) src(%arg8 : memref<200x16xf32, #tpu.memory_space<vmem>>) dst(%dma_wait3A_69 : memref<200x16xf32, #tpu.memory_space<hbm>>)
          tpu.yield
        }) : () -> ()
      }
      %while3A_58 = arith.constant 1 : i32
      scf.for %while3A_59 = %while3A_56 to %while3A_52 step %while3A_58  : i32 {
        %mul3A_60 = arith.constant 200 : i32
        %mul3A_61 = arith.muli %while3A_59, %mul3A_60 : i32
        "tpu.region"() ({
          %run_scoped3A = tpu.sem_alloc : memref<!tpu.dma_semaphore, #tpu.memory_space<semaphore_mem>>
          %dma_start3A = arith.constant 0 : i32
          %dma_start3A_64 = tpu.memref_slice %arg7[%mul3A_61, %dma_start3A] : memref<100000x16xf32, #tpu.memory_space<vmem_shared>> -> memref<200x16xf32, #tpu.memory_space<vmem_shared>>
          %dma_start3A_65 = arith.constant 0 : i32
          %dma_start3A_66 = tpu.memref_slice %arg7[%mul3A_61, %dma_start3A_65] : memref<100000x16xf32, #tpu.memory_space<vmem_shared>> -> memref<200x16xf32, #tpu.memory_space<vmem_shared>>
          tpu.enqueue_dma source(%dma_start3A_66 : memref<200x16xf32, #tpu.memory_space<vmem_shared>>) target(%arg8 : memref<200x16xf32, #tpu.memory_space<vmem>>) target_semaphore(%run_scoped3A : memref<!tpu.dma_semaphore, #tpu.memory_space<semaphore_mem>>)
          %dma_wait3A = arith.constant 0 : i32
          %dma_wait3A_67 = tpu.memref_slice %arg7[%mul3A_61, %dma_wait3A] : memref<100000x16xf32, #tpu.memory_space<vmem_shared>> -> memref<200x16xf32, #tpu.memory_space<vmem_shared>>
          %dma_wait3A_68 = arith.constant 0 : i32
          %dma_wait3A_69 = tpu.memref_slice %arg7[%mul3A_61, %dma_wait3A_68] : memref<100000x16xf32, #tpu.memory_space<vmem_shared>> -> memref<200x16xf32, #tpu.memory_space<vmem_shared>>
          tpu.wait_dma2 semaphore(%run_scoped3A : memref<!tpu.dma_semaphore, #tpu.memory_space<semaphore_mem>>) src(%dma_wait3A_69 : memref<200x16xf32, #tpu.memory_space<vmem_shared>>) dst(%arg8 : memref<200x16xf32, #tpu.memory_space<vmem>>)
          tpu.yield
        }) : () -> ()
        %mul3A_62 = arith.constant 200 : i32
        %mul3A_63 = arith.muli %while3A_59, %mul3A_62 : i32
        "tpu.region"() ({
          %run_scoped3A = tpu.sem_alloc : memref<!tpu.dma_semaphore, #tpu.memory_space<semaphore_mem>>
          %dma_start3A = arith.constant 0 : i32
          %dma_start3A_64 = tpu.memref_slice %arg5[%mul3A_63, %dma_start3A] : memref<100000x16xf32, #tpu.memory_space<hbm>> -> memref<200x16xf32, #tpu.memory_space<hbm>>
          %dma_start3A_65 = arith.constant 0 : i32
          %dma_start3A_66 = tpu.memref_slice %arg5[%mul3A_63, %dma_start3A_65] : memref<100000x16xf32, #tpu.memory_space<hbm>> -> memref<200x16xf32, #tpu.memory_space<hbm>>
          tpu.enqueue_dma source(%arg8 : memref<200x16xf32, #tpu.memory_space<vmem>>) target(%dma_start3A_66 : memref<200x16xf32, #tpu.memory_space<hbm>>) target_semaphore(%run_scoped3A : memref<!tpu.dma_semaphore, #tpu.memory_space<semaphore_mem>>)
          %dma_wait3A = arith.constant 0 : i32
          %dma_wait3A_67 = tpu.memref_slice %arg5[%mul3A_63, %dma_wait3A] : memref<100000x16xf32, #tpu.memory_space<hbm>> -> memref<200x16xf32, #tpu.memory_space<hbm>>
          %dma_wait3A_68 = arith.constant 0 : i32
          %dma_wait3A_69 = tpu.memref_slice %arg5[%mul3A_63, %dma_wait3A_68] : memref<100000x16xf32, #tpu.memory_space<hbm>> -> memref<200x16xf32, #tpu.memory_space<hbm>>
          tpu.wait_dma2 semaphore(%run_scoped3A : memref<!tpu.dma_semaphore, #tpu.memory_space<semaphore_mem>>) src(%arg8 : memref<200x16xf32, #tpu.memory_space<vmem>>) dst(%dma_wait3A_69 : memref<200x16xf32, #tpu.memory_space<hbm>>)
          tpu.yield
        }) : () -> ()
      }
    } else {
    }
    %eq3A_12 = arith.constant 1 : i32
    %eq3A_13 = arith.cmpi eq, %arg0, %eq3A_12 : i32
    %convert_element_type3A_14 = arith.extui %eq3A_13 : i1 to i32
    %cond3A_15 = arith.constant 0 : i32
    %cond3A_16 = arith.cmpi ne, %convert_element_type3A_14, %cond3A_15 : i32
    scf.if %cond3A_16 {
      %scan3A = arith.constant 0 : i32
      %scan3A_17 = arith.constant 0 : i32
      %scan3A_18 = arith.constant 200 : i32
      %scan3A_19 = arith.addi %scan3A_17, %scan3A_18 : i32
      %scan3A_20 = arith.constant 1 : i32
      scf.for %scan3A_59 = %scan3A_17 to %scan3A_19 step %scan3A_20  : i32 {
        %broadcast_in_dim3A = arith.constant 0.000000e+00 : f32
        %broadcast_in_dim3A_60 = vector.broadcast %broadcast_in_dim3A : f32 to vector<16xf32>
        %swap3A = arith.index_cast %scan3A_59 : i32 to index
        %swap3A_61 = arith.constant 0 : index
        %swap3A_62 = tpu.vector_load %arg8[%swap3A, %swap3A_61] {strides = array<i32>} : memref<200x16xf32, #tpu.memory_space<vmem>>, vector<1x16xf32>,
        %swap3A_63 = vector.shape_cast %swap3A_62 : vector<1x16xf32> to vector<16xf32>
        %swap3A_64 = vector.shape_cast %broadcast_in_dim3A_60 : vector<16xf32> to vector<1x16xf32>
        tpu.vector_store %arg8[%swap3A, %swap3A_61], %swap3A_64 {strides = array<i32>} : memref<200x16xf32, #tpu.memory_space<vmem>>, vector<1x16xf32>,
      }
      %scan3A_21 = arith.constant 200 : i32
      %while3A = arith.constant 0 : i32
      %while3A_22 = arith.subi %min3A_9, %mul3A_5 : i32
      %while3A_23 = arith.addi %mul3A_5, %while3A_22 : i32
      %while3A_24 = arith.constant 1 : i32
      %while3A_25 = arith.divsi %while3A_22, %while3A_24 : i32
      %while3A_26 = arith.muli %while3A_25, %while3A_24 : i32
      %while3A_27 = arith.addi %mul3A_5, %while3A_26 : i32
      %while3A_28 = arith.constant 1 : i32
      scf.for %while3A_59 = %mul3A_5 to %while3A_27 step %while3A_28  : i32 {
        %mul3A_60 = arith.constant 200 : i32
        %mul3A_61 = arith.muli %while3A_59, %mul3A_60 : i32
        "tpu.region"() ({
          %run_scoped3A = tpu.sem_alloc : memref<!tpu.dma_semaphore, #tpu.memory_space<semaphore_mem>>
          %dma_start3A = arith.constant 0 : i32
          %dma_start3A_62 = tpu.memref_slice %arg7[%mul3A_61, %dma_start3A] : memref<100000x16xf32, #tpu.memory_space<vmem_shared>> -> memref<200x16xf32, #tpu.memory_space<vmem_shared>>
          %dma_start3A_63 = arith.constant 0 : i32
          %dma_start3A_64 = tpu.memref_slice %arg7[%mul3A_61, %dma_start3A_63] : memref<100000x16xf32, #tpu.memory_space<vmem_shared>> -> memref<200x16xf32, #tpu.memory_space<vmem_shared>>
          tpu.enqueue_dma source(%arg8 : memref<200x16xf32, #tpu.memory_space<vmem>>) target(%dma_start3A_64 : memref<200x16xf32, #tpu.memory_space<vmem_shared>>) target_semaphore(%run_scoped3A : memref<!tpu.dma_semaphore, #tpu.memory_space<semaphore_mem>>)
          %dma_wait3A = arith.constant 0 : i32
          %dma_wait3A_65 = tpu.memref_slice %arg7[%mul3A_61, %dma_wait3A] : memref<100000x16xf32, #tpu.memory_space<vmem_shared>> -> memref<200x16xf32, #tpu.memory_space<vmem_shared>>
          %dma_wait3A_66 = arith.constant 0 : i32
          %dma_wait3A_67 = tpu.memref_slice %arg7[%mul3A_61, %dma_wait3A_66] : memref<100000x16xf32, #tpu.memory_space<vmem_shared>> -> memref<200x16xf32, #tpu.memory_space<vmem_shared>>
          tpu.wait_dma2 semaphore(%run_scoped3A : memref<!tpu.dma_semaphore, #tpu.memory_space<semaphore_mem>>) src(%arg8 : memref<200x16xf32, #tpu.memory_space<vmem>>) dst(%dma_wait3A_67 : memref<200x16xf32, #tpu.memory_space<vmem_shared>>)
          tpu.yield
        }) : () -> ()
      }
      %while3A_29 = arith.constant 1 : i32
      scf.for %while3A_59 = %while3A_27 to %while3A_23 step %while3A_29  : i32 {
        %mul3A_60 = arith.constant 200 : i32
        %mul3A_61 = arith.muli %while3A_59, %mul3A_60 : i32
        "tpu.region"() ({
          %run_scoped3A = tpu.sem_alloc : memref<!tpu.dma_semaphore, #tpu.memory_space<semaphore_mem>>
          %dma_start3A = arith.constant 0 : i32
          %dma_start3A_62 = tpu.memref_slice %arg7[%mul3A_61, %dma_start3A] : memref<100000x16xf32, #tpu.memory_space<vmem_shared>> -> memref<200x16xf32, #tpu.memory_space<vmem_shared>>
          %dma_start3A_63 = arith.constant 0 : i32
          %dma_start3A_64 = tpu.memref_slice %arg7[%mul3A_61, %dma_start3A_63] : memref<100000x16xf32, #tpu.memory_space<vmem_shared>> -> memref<200x16xf32, #tpu.memory_space<vmem_shared>>
          tpu.enqueue_dma source(%arg8 : memref<200x16xf32, #tpu.memory_space<vmem>>) target(%dma_start3A_64 : memref<200x16xf32, #tpu.memory_space<vmem_shared>>) target_semaphore(%run_scoped3A : memref<!tpu.dma_semaphore, #tpu.memory_space<semaphore_mem>>)
          %dma_wait3A = arith.constant 0 : i32
          %dma_wait3A_65 = tpu.memref_slice %arg7[%mul3A_61, %dma_wait3A] : memref<100000x16xf32, #tpu.memory_space<vmem_shared>> -> memref<200x16xf32, #tpu.memory_space<vmem_shared>>
          %dma_wait3A_66 = arith.constant 0 : i32
          %dma_wait3A_67 = tpu.memref_slice %arg7[%mul3A_61, %dma_wait3A_66] : memref<100000x16xf32, #tpu.memory_space<vmem_shared>> -> memref<200x16xf32, #tpu.memory_space<vmem_shared>>
          tpu.wait_dma2 semaphore(%run_scoped3A : memref<!tpu.dma_semaphore, #tpu.memory_space<semaphore_mem>>) src(%arg8 : memref<200x16xf32, #tpu.memory_space<vmem>>) dst(%dma_wait3A_67 : memref<200x16xf32, #tpu.memory_space<vmem_shared>>)
          tpu.yield
        }) : () -> ()
      }
      %barrier3A = arith.constant 0 : index
      tpu.barrier barrier_id(%barrier3A)
      %gt3A = arith.constant 0 : i32
      %gt3A_30 = arith.cmpi sgt, %max3A_3, %gt3A : i32
      %convert_element_type3A_31 = arith.extui %gt3A_30 : i1 to i32
      %cond3A_32 = arith.constant 0 : i32
      %cond3A_33 = arith.cmpi ne, %convert_element_type3A_31, %cond3A_32 : i32
      scf.if %cond3A_33 {
        %add3A_59 = arith.constant 0 : i32
        %add3A_60 = arith.addi %mul3A_0, %add3A_59 : i32
        %mul3A_61 = arith.constant 512 : i32
        %mul3A_62 = arith.muli %add3A_60, %mul3A_61 : i32
        %dma_start3A = arith.constant 0 : i32
        %dma_start3A_63 = tpu.memref_slice %arg2[%mul3A_62, %dma_start3A] : memref<3200000x16xf32, #tpu.memory_space<hbm>> -> memref<512x16xf32, #tpu.memory_space<hbm>>
        %dma_start3A_64 = arith.constant 0 : i32
        %dma_start3A_65 = tpu.memref_slice %arg2[%mul3A_62, %dma_start3A_64] : memref<3200000x16xf32, #tpu.memory_space<hbm>> -> memref<512x16xf32, #tpu.memory_space<hbm>>
        tpu.enqueue_dma source(%dma_start3A_65 : memref<512x16xf32, #tpu.memory_space<hbm>>) target(%arg9 : memref<512x16xf32, #tpu.memory_space<vmem>>) target_semaphore(%arg13 : memref<!tpu.dma_semaphore, #tpu.memory_space<semaphore_mem>>)
        %mul3A_66 = arith.constant 512 : i32
        %mul3A_67 = arith.muli %add3A_60, %mul3A_66 : i32
        %dma_start3A_68 = tpu.memref_slice %arg4[%mul3A_67] : memref<3200000xi32, #tpu.memory_space<hbm>> -> memref<512xi32, #tpu.memory_space<hbm>>
        %dma_start3A_69 = tpu.memref_slice %arg4[%mul3A_67] : memref<3200000xi32, #tpu.memory_space<hbm>> -> memref<512xi32, #tpu.memory_space<hbm>>
        tpu.enqueue_dma source(%dma_start3A_69 : memref<512xi32, #tpu.memory_space<hbm>>) target(%arg11 : memref<512xi32, #tpu.memory_space<vmem>>) target_semaphore(%arg13 : memref<!tpu.dma_semaphore, #tpu.memory_space<semaphore_mem>>)
      } else {
      }
      %scan3A_34 = arith.constant 0 : i32
      %scan3A_35 = arith.constant 0 : i32
      %scan3A_36 = arith.constant 196 : i32
      %scan3A_37 = arith.addi %scan3A_35, %scan3A_36 : i32
      %scan3A_38 = arith.constant 1 : i32
      scf.for %scan3A_59 = %scan3A_35 to %scan3A_37 step %scan3A_38  : i32 {
        %mul3A_60 = arith.constant 2 : i32
        %mul3A_61 = arith.muli %mul3A_60, %scan3A_59 : i32
        %lt3A = arith.cmpi slt, %mul3A_61, %max3A_3 : i32
        %convert_element_type3A_62 = arith.extui %lt3A : i1 to i32
        %cond3A_63 = arith.constant 0 : i32
        %cond3A_64 = arith.cmpi ne, %convert_element_type3A_62, %cond3A_63 : i32
        scf.if %cond3A_64 {
          %add3A_73 = arith.addi %mul3A_0, %mul3A_61 : i32
          %mul3A_74 = arith.constant 512 : i32
          %mul3A_75 = arith.muli %add3A_73, %mul3A_74 : i32
          %dma_wait3A = arith.constant 0 : i32
          %dma_wait3A_76 = tpu.memref_slice %arg2[%mul3A_75, %dma_wait3A] : memref<3200000x16xf32, #tpu.memory_space<hbm>> -> memref<512x16xf32, #tpu.memory_space<hbm>>
          %dma_wait3A_77 = arith.constant 0 : i32
          %dma_wait3A_78 = tpu.memref_slice %arg2[%mul3A_75, %dma_wait3A_77] : memref<3200000x16xf32, #tpu.memory_space<hbm>> -> memref<512x16xf32, #tpu.memory_space<hbm>>
          tpu.wait_dma2 semaphore(%arg13 : memref<!tpu.dma_semaphore, #tpu.memory_space<semaphore_mem>>) src(%dma_wait3A_78 : memref<512x16xf32, #tpu.memory_space<hbm>>) dst(%arg9 : memref<512x16xf32, #tpu.memory_space<vmem>>)
          %mul3A_79 = arith.constant 512 : i32
          %mul3A_80 = arith.muli %add3A_73, %mul3A_79 : i32
          %dma_wait3A_81 = tpu.memref_slice %arg4[%mul3A_80] : memref<3200000xi32, #tpu.memory_space<hbm>> -> memref<512xi32, #tpu.memory_space<hbm>>
          %dma_wait3A_82 = tpu.memref_slice %arg4[%mul3A_80] : memref<3200000xi32, #tpu.memory_space<hbm>> -> memref<512xi32, #tpu.memory_space<hbm>>
          tpu.wait_dma2 semaphore(%arg13 : memref<!tpu.dma_semaphore, #tpu.memory_space<semaphore_mem>>) src(%dma_wait3A_82 : memref<512xi32, #tpu.memory_space<hbm>>) dst(%arg11 : memref<512xi32, #tpu.memory_space<vmem>>)
          %add3A_83 = arith.constant 1 : i32
          %add3A_84 = arith.addi %mul3A_61, %add3A_83 : i32
          %lt3A_85 = arith.cmpi slt, %add3A_84, %max3A_3 : i32
          %convert_element_type3A_86 = arith.extui %lt3A_85 : i1 to i32
          %cond3A_87 = arith.constant 0 : i32
          %cond3A_88 = arith.cmpi ne, %convert_element_type3A_86, %cond3A_87 : i32
          scf.if %cond3A_88 {
            %ge3A_91 = arith.constant 1 : i32
            %ge3A_92 = arith.cmpi sge, %mul3A_61, %ge3A_91 : i32
            %convert_element_type3A_93 = arith.extui %ge3A_92 : i1 to i32
            %cond3A_94 = arith.constant 0 : i32
            %cond3A_95 = arith.cmpi ne, %convert_element_type3A_93, %cond3A_94 : i32
            scf.if %cond3A_95 {
              %dma_wait3A_109 = arith.constant 0 : i32
              %dma_wait3A_110 = arith.constant 0 : i32
              %dma_wait3A_111 = tpu.memref_slice %arg7[%dma_wait3A_109, %dma_wait3A_110] : memref<100000x16xf32, #tpu.memory_space<vmem_shared>> -> memref<100000x16xf32, #tpu.memory_space<vmem_shared>>
              tpu.wait_indirect_dma semaphore(%arg16 : memref<!tpu.dma_semaphore, #tpu.memory_space<semaphore_mem>>) src(%arg10 : memref<512x16xf32, #tpu.memory_space<vmem>>) dst(%dma_wait3A_111 : memref<100000x16xf32, #tpu.memory_space<vmem_shared>>)
            } else {
            }
            %add3A_96 = arith.constant 1 : i32
            %add3A_97 = arith.addi %mul3A_61, %add3A_96 : i32
            %add3A_98 = arith.addi %mul3A_0, %add3A_97 : i32
            %mul3A_99 = arith.constant 512 : i32
            %mul3A_100 = arith.muli %add3A_98, %mul3A_99 : i32
            %dma_start3A_101 = arith.constant 0 : i32
            %dma_start3A_102 = tpu.memref_slice %arg2[%mul3A_100, %dma_start3A_101] : memref<3200000x16xf32, #tpu.memory_space<hbm>> -> memref<512x16xf32, #tpu.memory_space<hbm>>
            %dma_start3A_103 = arith.constant 0 : i32
            %dma_start3A_104 = tpu.memref_slice %arg2[%mul3A_100, %dma_start3A_103] : memref<3200000x16xf32, #tpu.memory_space<hbm>> -> memref<512x16xf32, #tpu.memory_space<hbm>>
            tpu.enqueue_dma source(%dma_start3A_104 : memref<512x16xf32, #tpu.memory_space<hbm>>) target(%arg10 : memref<512x16xf32, #tpu.memory_space<vmem>>) target_semaphore(%arg14 : memref<!tpu.dma_semaphore, #tpu.memory_space<semaphore_mem>>)
            %mul3A_105 = arith.constant 512 : i32
            %mul3A_106 = arith.muli %add3A_98, %mul3A_105 : i32
            %dma_start3A_107 = tpu.memref_slice %arg4[%mul3A_106] : memref<3200000xi32, #tpu.memory_space<hbm>> -> memref<512xi32, #tpu.memory_space<hbm>>
            %dma_start3A_108 = tpu.memref_slice %arg4[%mul3A_106] : memref<3200000xi32, #tpu.memory_space<hbm>> -> memref<512xi32, #tpu.memory_space<hbm>>
            tpu.enqueue_dma source(%dma_start3A_108 : memref<512xi32, #tpu.memory_space<hbm>>) target(%arg12 : memref<512xi32, #tpu.memory_space<vmem>>) target_semaphore(%arg14 : memref<!tpu.dma_semaphore, #tpu.memory_space<semaphore_mem>>)
          } else {
          }
          %dma_start3A = arith.constant 0 : i32
          %dma_start3A_89 = arith.constant 0 : i32
          %dma_start3A_90 = tpu.memref_slice %arg7[%dma_start3A, %dma_start3A_89] : memref<100000x16xf32, #tpu.memory_space<vmem_shared>> -> memref<100000x16xf32, #tpu.memory_space<vmem_shared>>
          tpu.enqueue_indirect_dma source(%arg9 : memref<512x16xf32, #tpu.memory_space<vmem>>) target(%dma_start3A_90 : memref<100000x16xf32, #tpu.memory_space<vmem_shared>>) offsets(%arg11 : memref<512xi32, #tpu.memory_space<vmem>>) semaphore(%arg15 : memref<!tpu.dma_semaphore, #tpu.memory_space<semaphore_mem>>) {add = true}
        } else {
        }
        %mul3A_65 = arith.constant 2 : i32
        %mul3A_66 = arith.muli %mul3A_65, %scan3A_59 : i32
        %add3A_67 = arith.constant 1 : i32
        %add3A_68 = arith.addi %mul3A_66, %add3A_67 : i32
        %lt3A_69 = arith.cmpi slt, %add3A_68, %max3A_3 : i32
        %convert_element_type3A_70 = arith.extui %lt3A_69 : i1 to i32
        %cond3A_71 = arith.constant 0 : i32
        %cond3A_72 = arith.cmpi ne, %convert_element_type3A_70, %cond3A_71 : i32
        scf.if %cond3A_72 {
          %add3A_73 = arith.addi %mul3A_0, %add3A_68 : i32
          %mul3A_74 = arith.constant 512 : i32
          %mul3A_75 = arith.muli %add3A_73, %mul3A_74 : i32
          %dma_wait3A = arith.constant 0 : i32
          %dma_wait3A_76 = tpu.memref_slice %arg2[%mul3A_75, %dma_wait3A] : memref<3200000x16xf32, #tpu.memory_space<hbm>> -> memref<512x16xf32, #tpu.memory_space<hbm>>
          %dma_wait3A_77 = arith.constant 0 : i32
          %dma_wait3A_78 = tpu.memref_slice %arg2[%mul3A_75, %dma_wait3A_77] : memref<3200000x16xf32, #tpu.memory_space<hbm>> -> memref<512x16xf32, #tpu.memory_space<hbm>>
          tpu.wait_dma2 semaphore(%arg14 : memref<!tpu.dma_semaphore, #tpu.memory_space<semaphore_mem>>) src(%dma_wait3A_78 : memref<512x16xf32, #tpu.memory_space<hbm>>) dst(%arg10 : memref<512x16xf32, #tpu.memory_space<vmem>>)
          %mul3A_79 = arith.constant 512 : i32
          %mul3A_80 = arith.muli %add3A_73, %mul3A_79 : i32
          %dma_wait3A_81 = tpu.memref_slice %arg4[%mul3A_80] : memref<3200000xi32, #tpu.memory_space<hbm>> -> memref<512xi32, #tpu.memory_space<hbm>>
          %dma_wait3A_82 = tpu.memref_slice %arg4[%mul3A_80] : memref<3200000xi32, #tpu.memory_space<hbm>> -> memref<512xi32, #tpu.memory_space<hbm>>
          tpu.wait_dma2 semaphore(%arg14 : memref<!tpu.dma_semaphore, #tpu.memory_space<semaphore_mem>>) src(%dma_wait3A_82 : memref<512xi32, #tpu.memory_space<hbm>>) dst(%arg12 : memref<512xi32, #tpu.memory_space<vmem>>)
          %add3A_83 = arith.constant 1 : i32
          %add3A_84 = arith.addi %add3A_68, %add3A_83 : i32
          %lt3A_85 = arith.cmpi slt, %add3A_84, %max3A_3 : i32
          %convert_element_type3A_86 = arith.extui %lt3A_85 : i1 to i32
          %cond3A_87 = arith.constant 0 : i32
          %cond3A_88 = arith.cmpi ne, %convert_element_type3A_86, %cond3A_87 : i32
          scf.if %cond3A_88 {
            %ge3A_91 = arith.constant 1 : i32
            %ge3A_92 = arith.cmpi sge, %add3A_68, %ge3A_91 : i32
            %convert_element_type3A_93 = arith.extui %ge3A_92 : i1 to i32
            %cond3A_94 = arith.constant 0 : i32
            %cond3A_95 = arith.cmpi ne, %convert_element_type3A_93, %cond3A_94 : i32
            scf.if %cond3A_95 {
              %dma_wait3A_109 = arith.constant 0 : i32
              %dma_wait3A_110 = arith.constant 0 : i32
              %dma_wait3A_111 = tpu.memref_slice %arg7[%dma_wait3A_109, %dma_wait3A_110] : memref<100000x16xf32, #tpu.memory_space<vmem_shared>> -> memref<100000x16xf32, #tpu.memory_space<vmem_shared>>
              tpu.wait_indirect_dma semaphore(%arg15 : memref<!tpu.dma_semaphore, #tpu.memory_space<semaphore_mem>>) src(%arg9 : memref<512x16xf32, #tpu.memory_space<vmem>>) dst(%dma_wait3A_111 : memref<100000x16xf32, #tpu.memory_space<vmem_shared>>)
            } else {
            }
            %add3A_96 = arith.constant 1 : i32
            %add3A_97 = arith.addi %add3A_68, %add3A_96 : i32
            %add3A_98 = arith.addi %mul3A_0, %add3A_97 : i32
            %mul3A_99 = arith.constant 512 : i32
            %mul3A_100 = arith.muli %add3A_98, %mul3A_99 : i32
            %dma_start3A_101 = arith.constant 0 : i32
            %dma_start3A_102 = tpu.memref_slice %arg2[%mul3A_100, %dma_start3A_101] : memref<3200000x16xf32, #tpu.memory_space<hbm>> -> memref<512x16xf32, #tpu.memory_space<hbm>>
            %dma_start3A_103 = arith.constant 0 : i32
            %dma_start3A_104 = tpu.memref_slice %arg2[%mul3A_100, %dma_start3A_103] : memref<3200000x16xf32, #tpu.memory_space<hbm>> -> memref<512x16xf32, #tpu.memory_space<hbm>>
            tpu.enqueue_dma source(%dma_start3A_104 : memref<512x16xf32, #tpu.memory_space<hbm>>) target(%arg9 : memref<512x16xf32, #tpu.memory_space<vmem>>) target_semaphore(%arg13 : memref<!tpu.dma_semaphore, #tpu.memory_space<semaphore_mem>>)
            %mul3A_105 = arith.constant 512 : i32
            %mul3A_106 = arith.muli %add3A_98, %mul3A_105 : i32
            %dma_start3A_107 = tpu.memref_slice %arg4[%mul3A_106] : memref<3200000xi32, #tpu.memory_space<hbm>> -> memref<512xi32, #tpu.memory_space<hbm>>
            %dma_start3A_108 = tpu.memref_slice %arg4[%mul3A_106] : memref<3200000xi32, #tpu.memory_space<hbm>> -> memref<512xi32, #tpu.memory_space<hbm>>
            tpu.enqueue_dma source(%dma_start3A_108 : memref<512xi32, #tpu.memory_space<hbm>>) target(%arg11 : memref<512xi32, #tpu.memory_space<vmem>>) target_semaphore(%arg13 : memref<!tpu.dma_semaphore, #tpu.memory_space<semaphore_mem>>)
          } else {
          }
          %dma_start3A = arith.constant 0 : i32
          %dma_start3A_89 = arith.constant 0 : i32
          %dma_start3A_90 = tpu.memref_slice %arg7[%dma_start3A, %dma_start3A_89] : memref<100000x16xf32, #tpu.memory_space<vmem_shared>> -> memref<100000x16xf32, #tpu.memory_space<vmem_shared>>
          tpu.enqueue_indirect_dma source(%arg10 : memref<512x16xf32, #tpu.memory_space<vmem>>) target(%dma_start3A_90 : memref<100000x16xf32, #tpu.memory_space<vmem_shared>>) offsets(%arg12 : memref<512xi32, #tpu.memory_space<vmem>>) semaphore(%arg16 : memref<!tpu.dma_semaphore, #tpu.memory_space<semaphore_mem>>) {add = true}
        } else {
        }
      }
      %scan3A_39 = arith.constant 196 : i32
      %ge3A = arith.constant 1 : i32
      %ge3A_40 = arith.cmpi sge, %max3A_3, %ge3A : i32
      %convert_element_type3A_41 = arith.extui %ge3A_40 : i1 to i32
      %cond3A_42 = arith.constant 0 : i32
      %cond3A_43 = arith.cmpi ne, %convert_element_type3A_41, %cond3A_42 : i32
      scf.if %cond3A_43 {
        %dma_wait3A = arith.constant 0 : i32
        %dma_wait3A_59 = arith.constant 0 : i32
        %dma_wait3A_60 = tpu.memref_slice %arg7[%dma_wait3A, %dma_wait3A_59] : memref<100000x16xf32, #tpu.memory_space<vmem_shared>> -> memref<100000x16xf32, #tpu.memory_space<vmem_shared>>
        tpu.wait_indirect_dma semaphore(%arg15 : memref<!tpu.dma_semaphore, #tpu.memory_space<semaphore_mem>>) src(%arg9 : memref<512x16xf32, #tpu.memory_space<vmem>>) dst(%dma_wait3A_60 : memref<100000x16xf32, #tpu.memory_space<vmem_shared>>)
      } else {
      }
      %ge3A_44 = arith.constant 2 : i32
      %ge3A_45 = arith.cmpi sge, %max3A_3, %ge3A_44 : i32
      %convert_element_type3A_46 = arith.extui %ge3A_45 : i1 to i32
      %cond3A_47 = arith.constant 0 : i32
      %cond3A_48 = arith.cmpi ne, %convert_element_type3A_46, %cond3A_47 : i32
      scf.if %cond3A_48 {
        %dma_wait3A = arith.constant 0 : i32
        %dma_wait3A_59 = arith.constant 0 : i32
        %dma_wait3A_60 = tpu.memref_slice %arg7[%dma_wait3A, %dma_wait3A_59] : memref<100000x16xf32, #tpu.memory_space<vmem_shared>> -> memref<100000x16xf32, #tpu.memory_space<vmem_shared>>
        tpu.wait_indirect_dma semaphore(%arg16 : memref<!tpu.dma_semaphore, #tpu.memory_space<semaphore_mem>>) src(%arg10 : memref<512x16xf32, #tpu.memory_space<vmem>>) dst(%dma_wait3A_60 : memref<100000x16xf32, #tpu.memory_space<vmem_shared>>)
      } else {
      }
      %barrier3A_49 = arith.constant 0 : index
      tpu.barrier barrier_id(%barrier3A_49)
      %while3A_50 = arith.constant 0 : i32
      %while3A_51 = arith.subi %min3A_9, %mul3A_5 : i32
      %while3A_52 = arith.addi %mul3A_5, %while3A_51 : i32
      %while3A_53 = arith.constant 1 : i32
      %while3A_54 = arith.divsi %while3A_51, %while3A_53 : i32
      %while3A_55 = arith.muli %while3A_54, %while3A_53 : i32
      %while3A_56 = arith.addi %mul3A_5, %while3A_55 : i32
      %while3A_57 = arith.constant 1 : i32
      scf.for %while3A_59 = %mul3A_5 to %while3A_56 step %while3A_57  : i32 {
        %mul3A_60 = arith.constant 200 : i32
        %mul3A_61 = arith.muli %while3A_59, %mul3A_60 : i32
        "tpu.region"() ({
          %run_scoped3A = tpu.sem_alloc : memref<!tpu.dma_semaphore, #tpu.memory_space<semaphore_mem>>
          %dma_start3A = arith.constant 0 : i32
          %dma_start3A_64 = tpu.memref_slice %arg7[%mul3A_61, %dma_start3A] : memref<100000x16xf32, #tpu.memory_space<vmem_shared>> -> memref<200x16xf32, #tpu.memory_space<vmem_shared>>
          %dma_start3A_65 = arith.constant 0 : i32
          %dma_start3A_66 = tpu.memref_slice %arg7[%mul3A_61, %dma_start3A_65] : memref<100000x16xf32, #tpu.memory_space<vmem_shared>> -> memref<200x16xf32, #tpu.memory_space<vmem_shared>>
          tpu.enqueue_dma source(%dma_start3A_66 : memref<200x16xf32, #tpu.memory_space<vmem_shared>>) target(%arg8 : memref<200x16xf32, #tpu.memory_space<vmem>>) target_semaphore(%run_scoped3A : memref<!tpu.dma_semaphore, #tpu.memory_space<semaphore_mem>>)
          %dma_wait3A = arith.constant 0 : i32
          %dma_wait3A_67 = tpu.memref_slice %arg7[%mul3A_61, %dma_wait3A] : memref<100000x16xf32, #tpu.memory_space<vmem_shared>> -> memref<200x16xf32, #tpu.memory_space<vmem_shared>>
          %dma_wait3A_68 = arith.constant 0 : i32
          %dma_wait3A_69 = tpu.memref_slice %arg7[%mul3A_61, %dma_wait3A_68] : memref<100000x16xf32, #tpu.memory_space<vmem_shared>> -> memref<200x16xf32, #tpu.memory_space<vmem_shared>>
          tpu.wait_dma2 semaphore(%run_scoped3A : memref<!tpu.dma_semaphore, #tpu.memory_space<semaphore_mem>>) src(%dma_wait3A_69 : memref<200x16xf32, #tpu.memory_space<vmem_shared>>) dst(%arg8 : memref<200x16xf32, #tpu.memory_space<vmem>>)
          tpu.yield
        }) : () -> ()
        %mul3A_62 = arith.constant 200 : i32
        %mul3A_63 = arith.muli %while3A_59, %mul3A_62 : i32
        "tpu.region"() ({
          %run_scoped3A = tpu.sem_alloc : memref<!tpu.dma_semaphore, #tpu.memory_space<semaphore_mem>>
          %dma_start3A = arith.constant 0 : i32
          %dma_start3A_64 = tpu.memref_slice %arg6[%mul3A_63, %dma_start3A] : memref<100000x16xf32, #tpu.memory_space<hbm>> -> memref<200x16xf32, #tpu.memory_space<hbm>>
          %dma_start3A_65 = arith.constant 0 : i32
          %dma_start3A_66 = tpu.memref_slice %arg6[%mul3A_63, %dma_start3A_65] : memref<100000x16xf32, #tpu.memory_space<hbm>> -> memref<200x16xf32, #tpu.memory_space<hbm>>
          tpu.enqueue_dma source(%arg8 : memref<200x16xf32, #tpu.memory_space<vmem>>) target(%dma_start3A_66 : memref<200x16xf32, #tpu.memory_space<hbm>>) target_semaphore(%run_scoped3A : memref<!tpu.dma_semaphore, #tpu.memory_space<semaphore_mem>>)
          %dma_wait3A = arith.constant 0 : i32
          %dma_wait3A_67 = tpu.memref_slice %arg6[%mul3A_63, %dma_wait3A] : memref<100000x16xf32, #tpu.memory_space<hbm>> -> memref<200x16xf32, #tpu.memory_space<hbm>>
          %dma_wait3A_68 = arith.constant 0 : i32
          %dma_wait3A_69 = tpu.memref_slice %arg6[%mul3A_63, %dma_wait3A_68] : memref<100000x16xf32, #tpu.memory_space<hbm>> -> memref<200x16xf32, #tpu.memory_space<hbm>>
          tpu.wait_dma2 semaphore(%run_scoped3A : memref<!tpu.dma_semaphore, #tpu.memory_space<semaphore_mem>>) src(%arg8 : memref<200x16xf32, #tpu.memory_space<vmem>>) dst(%dma_wait3A_69 : memref<200x16xf32, #tpu.memory_space<hbm>>)
          tpu.yield
        }) : () -> ()
      }
      %while3A_58 = arith.constant 1 : i32
      scf.for %while3A_59 = %while3A_56 to %while3A_52 step %while3A_58  : i32 {
        %mul3A_60 = arith.constant 200 : i32
        %mul3A_61 = arith.muli %while3A_59, %mul3A_60 : i32
        "tpu.region"() ({
          %run_scoped3A = tpu.sem_alloc : memref<!tpu.dma_semaphore, #tpu.memory_space<semaphore_mem>>
          %dma_start3A = arith.constant 0 : i32
          %dma_start3A_64 = tpu.memref_slice %arg7[%mul3A_61, %dma_start3A] : memref<100000x16xf32, #tpu.memory_space<vmem_shared>> -> memref<200x16xf32, #tpu.memory_space<vmem_shared>>
          %dma_start3A_65 = arith.constant 0 : i32
          %dma_start3A_66 = tpu.memref_slice %arg7[%mul3A_61, %dma_start3A_65] : memref<100000x16xf32, #tpu.memory_space<vmem_shared>> -> memref<200x16xf32, #tpu.memory_space<vmem_shared>>
          tpu.enqueue_dma source(%dma_start3A_66 : memref<200x16xf32, #tpu.memory_space<vmem_shared>>) target(%arg8 : memref<200x16xf32, #tpu.memory_space<vmem>>) target_semaphore(%run_scoped3A : memref<!tpu.dma_semaphore, #tpu.memory_space<semaphore_mem>>)
          %dma_wait3A = arith.constant 0 : i32
          %dma_wait3A_67 = tpu.memref_slice %arg7[%mul3A_61, %dma_wait3A] : memref<100000x16xf32, #tpu.memory_space<vmem_shared>> -> memref<200x16xf32, #tpu.memory_space<vmem_shared>>
          %dma_wait3A_68 = arith.constant 0 : i32
          %dma_wait3A_69 = tpu.memref_slice %arg7[%mul3A_61, %dma_wait3A_68] : memref<100000x16xf32, #tpu.memory_space<vmem_shared>> -> memref<200x16xf32, #tpu.memory_space<vmem_shared>>
          tpu.wait_dma2 semaphore(%run_scoped3A : memref<!tpu.dma_semaphore, #tpu.memory_space<semaphore_mem>>) src(%dma_wait3A_69 : memref<200x16xf32, #tpu.memory_space<vmem_shared>>) dst(%arg8 : memref<200x16xf32, #tpu.memory_space<vmem>>)
          tpu.yield
        }) : () -> ()
        %mul3A_62 = arith.constant 200 : i32
        %mul3A_63 = arith.muli %while3A_59, %mul3A_62 : i32
        "tpu.region"() ({
          %run_scoped3A = tpu.sem_alloc : memref<!tpu.dma_semaphore, #tpu.memory_space<semaphore_mem>>
          %dma_start3A = arith.constant 0 : i32
          %dma_start3A_64 = tpu.memref_slice %arg6[%mul3A_63, %dma_start3A] : memref<100000x16xf32, #tpu.memory_space<hbm>> -> memref<200x16xf32, #tpu.memory_space<hbm>>
          %dma_start3A_65 = arith.constant 0 : i32
          %dma_start3A_66 = tpu.memref_slice %arg6[%mul3A_63, %dma_start3A_65] : memref<100000x16xf32, #tpu.memory_space<hbm>> -> memref<200x16xf32, #tpu.memory_space<hbm>>
          tpu.enqueue_dma source(%arg8 : memref<200x16xf32, #tpu.memory_space<vmem>>) target(%dma_start3A_66 : memref<200x16xf32, #tpu.memory_space<hbm>>) target_semaphore(%run_scoped3A : memref<!tpu.dma_semaphore, #tpu.memory_space<semaphore_mem>>)
          %dma_wait3A = arith.constant 0 : i32
          %dma_wait3A_67 = tpu.memref_slice %arg6[%mul3A_63, %dma_wait3A] : memref<100000x16xf32, #tpu.memory_space<hbm>> -> memref<200x16xf32, #tpu.memory_space<hbm>>
          %dma_wait3A_68 = arith.constant 0 : i32
          %dma_wait3A_69 = tpu.memref_slice %arg6[%mul3A_63, %dma_wait3A_68] : memref<100000x16xf32, #tpu.memory_space<hbm>> -> memref<200x16xf32, #tpu.memory_space<hbm>>
          tpu.wait_dma2 semaphore(%run_scoped3A : memref<!tpu.dma_semaphore, #tpu.memory_space<semaphore_mem>>) src(%arg8 : memref<200x16xf32, #tpu.memory_space<vmem>>) dst(%dma_wait3A_69 : memref<200x16xf32, #tpu.memory_space<hbm>>)
          tpu.yield
        }) : () -> ()
      }
    } else {
    }
    return
  }
}

module attributes {stable_mosaic.version = 14 : i64} {
  func.func @body(%arg0: i32, %arg1: memref<200x128xf32, #tpu.memory_space<vmem>>, %arg2: memref<128x2048xf32, #tpu.memory_space<vmem>>, %arg3: memref<1x2048xf32, #tpu.memory_space<vmem>>, %arg4: memref<1x2048xf32, #tpu.memory_space<vmem>>, %arg5: memref<1x2048xf32, #tpu.memory_space<vmem>>, %arg6: memref<200x2048xf32, #tpu.memory_space<vmem>>) attributes {dimension_semantics = [#tpu.dimension_semantics<arbitrary>], iteration_bounds = array<i64: 125>, scalar_prefetch = 0 : i64, scratch_operands = 0 : i64, tpu.core_type = #tpu.core_type<tc>, window_params = [{transform_indices = @transform_0, window_bounds = array<i64: 200, 128>}, {pipeline_mode = #tpu.pipeline_mode<synchronous>, transform_indices = @transform_1, window_bounds = array<i64: 128, 2048>}, {pipeline_mode = #tpu.pipeline_mode<synchronous>, transform_indices = @transform_2, window_bounds = array<i64: 1, 2048>}, {pipeline_mode = #tpu.pipeline_mode<synchronous>, transform_indices = @transform_3, window_bounds = array<i64: 1, 2048>}, {pipeline_mode = #tpu.pipeline_mode<synchronous>, transform_indices = @transform_4, window_bounds = array<i64: 1, 2048>}, {transform_indices = @transform_5, window_bounds = array<i64: 200, 2048>}]} {
    %get3A = arith.constant 0 : index
    %get3A_0 = arith.constant 0 : index
    %get3A_1 = vector.load %arg1[%get3A, %get3A_0] : memref<200x128xf32, #tpu.memory_space<vmem>>, vector<200x128xf32>
    %get3A_2 = arith.constant 0 : index
    %get3A_3 = arith.constant 0 : index
    %get3A_4 = vector.load %arg2[%get3A_2, %get3A_3] : memref<128x2048xf32, #tpu.memory_space<vmem>>, vector<128x2048xf32>
    %dot_general3A = arith.constant dense<0.000000e+00> : vector<200x2048xf32>
    %dot_general3A_5 = tpu.matmul %get3A_1, %get3A_4, %dot_general3A {dimension_numbers = #tpu.dot_dimension_numbers<[1], [0], [0], [1], [0, 0, 1, 1], [], []>, transpose_lhs_hint = false} : vector<200x128xf32>, vector<128x2048xf32>, vector<200x2048xf32> -> vector<200x2048xf32>
    %get3A_6 = arith.constant 0 : index
    %get3A_7 = arith.constant 0 : index
    %get3A_8 = vector.load %arg3[%get3A_6, %get3A_7] : memref<1x2048xf32, #tpu.memory_space<vmem>>, vector<1x2048xf32>
    %mul3A = vector.broadcast %get3A_8 : vector<1x2048xf32> to vector<200x2048xf32>
    %mul3A_9 = arith.mulf %dot_general3A_5, %mul3A : vector<200x2048xf32>
    %get3A_10 = arith.constant 0 : index
    %get3A_11 = arith.constant 0 : index
    %get3A_12 = vector.load %arg4[%get3A_10, %get3A_11] : memref<1x2048xf32, #tpu.memory_space<vmem>>, vector<1x2048xf32>
    %add3A = vector.broadcast %get3A_12 : vector<1x2048xf32> to vector<200x2048xf32>
    %add3A_13 = arith.addf %mul3A_9, %add3A : vector<200x2048xf32>
    %max3A = arith.constant 0.000000e+00 : f32
    %max3A_14 = vector.broadcast %max3A : f32 to vector<200x2048xf32>
    %max3A_15 = arith.maximumf %add3A_13, %max3A_14 : vector<200x2048xf32>
    %abs3A = math.absf %add3A_13 : vector<200x2048xf32>
    %neg3A = arith.constant 0.000000e+00 : f32
    %neg3A_16 = vector.broadcast %neg3A : f32 to vector<200x2048xf32>
    %neg3A_17 = arith.subf %neg3A_16, %abs3A : vector<200x2048xf32>
    %exp3A = math.exp %neg3A_17 : vector<200x2048xf32>
    %log1p3A = math.log1p %exp3A : vector<200x2048xf32>
    %add3A_18 = arith.addf %max3A_15, %log1p3A : vector<200x2048xf32>
    %get3A_19 = arith.constant 0 : index
    %get3A_20 = arith.constant 0 : index
    %get3A_21 = vector.load %arg5[%get3A_19, %get3A_20] : memref<1x2048xf32, #tpu.memory_space<vmem>>, vector<1x2048xf32>
    %add3A_22 = vector.broadcast %get3A_21 : vector<1x2048xf32> to vector<200x2048xf32>
    %add3A_23 = arith.addf %add3A_18, %add3A_22 : vector<200x2048xf32>
    %swap3A = arith.constant 0 : index
    %swap3A_24 = arith.constant 0 : index
    %swap3A_25 = vector.load %arg6[%swap3A, %swap3A_24] : memref<200x2048xf32, #tpu.memory_space<vmem>>, vector<200x2048xf32>
    tpu.vector_store %arg6[%swap3A, %swap3A_24], %add3A_23 {strides = array<i32>} : memref<200x2048xf32, #tpu.memory_space<vmem>>, vector<200x2048xf32>,
    return
  }
  func.func @transform_0(%arg0: i32) -> (i32, i32) {
    %c0_i32 = arith.constant 0 : i32
    %c0_i32_0 = arith.constant 0 : i32
    return %arg0, %c0_i32 : i32, i32
  }
  func.func @transform_1(%arg0: i32) -> (i32, i32) {
    %c0_i32 = arith.constant 0 : i32
    %c0_i32_0 = arith.constant 0 : i32
    %c0_i32_1 = arith.constant 0 : i32
    return %c0_i32, %c0_i32_0 : i32, i32
  }
  func.func @transform_2(%arg0: i32) -> (i32, i32) {
    %c0_i32 = arith.constant 0 : i32
    %c0_i32_0 = arith.constant 0 : i32
    %c0_i32_1 = arith.constant 0 : i32
    return %c0_i32, %c0_i32_0 : i32, i32
  }
  func.func @transform_3(%arg0: i32) -> (i32, i32) {
    %c0_i32 = arith.constant 0 : i32
    %c0_i32_0 = arith.constant 0 : i32
    %c0_i32_1 = arith.constant 0 : i32
    return %c0_i32, %c0_i32_0 : i32, i32
  }
  func.func @transform_4(%arg0: i32) -> (i32, i32) {
    %c0_i32 = arith.constant 0 : i32
    %c0_i32_0 = arith.constant 0 : i32
    %c0_i32_1 = arith.constant 0 : i32
    return %c0_i32, %c0_i32_0 : i32, i32
  }
  func.func @transform_5(%arg0: i32) -> (i32, i32) {
    %c0_i32 = arith.constant 0 : i32
    %c0_i32_0 = arith.constant 0 : i32
    return %arg0, %c0_i32 : i32, i32
  }
}

module attributes {stable_mosaic.version = 14 : i64} {
  func.func @body(%arg0: i32, %arg1: memref<2048x128xf32, #tpu.memory_space<vmem>>, %arg2: memref<256x128xf32, #tpu.memory_space<vmem>>, %arg3: memref<256x128xf32, #tpu.memory_space<vmem>>, %arg4: memref<1x8xf32, #tpu.memory_space<vmem>>, %arg5: memref<128x16xf32, #tpu.memory_space<vmem>>, %arg6: memref<1x16xf32, #tpu.memory_space<vmem>>, %arg7: memref<16x16xf32, #tpu.memory_space<vmem>>, %arg8: memref<1x16xf32, #tpu.memory_space<vmem>>, %arg9: memref<16x16xf32, #tpu.memory_space<vmem>>, %arg10: memref<128x128xf32, #tpu.memory_space<vmem>>, %arg11: memref<128x128xf32, #tpu.memory_space<vmem>>, %arg12: memref<8x16xf32, #tpu.memory_space<vmem>>, %arg13: memref<1x16xf32, #tpu.memory_space<vmem>>, %arg14: memref<16x16xf32, #tpu.memory_space<vmem>>, %arg15: memref<1x16xf32, #tpu.memory_space<vmem>>, %arg16: memref<16x16xf32, #tpu.memory_space<vmem>>, %arg17: memref<1x16xf32, #tpu.memory_space<vmem>>, %arg18: memref<16x16xf32, #tpu.memory_space<vmem>>, %arg19: memref<1x16xf32, #tpu.memory_space<vmem>>, %arg20: memref<1x16xf32, #tpu.memory_space<vmem>>, %arg21: memref<1x1xf32, #tpu.memory_space<vmem>>, %arg22: memref<129x2048xf32, #tpu.memory_space<vmem>>) attributes {dimension_semantics = [#tpu.dimension_semantics<arbitrary>], iteration_bounds = array<i64: 49>, scalar_prefetch = 0 : i64, scratch_operands = 0 : i64, tpu.core_type = #tpu.core_type<tc>, window_params = [{transform_indices = @transform_0, window_bounds = array<i64: 2048, 128>}, {transform_indices = @transform_1, window_bounds = array<i64: 256, 128>}, {transform_indices = @transform_2, window_bounds = array<i64: 256, 128>}, {pipeline_mode = #tpu.pipeline_mode<synchronous>, transform_indices = @transform_3, window_bounds = array<i64: 1, 8>}, {pipeline_mode = #tpu.pipeline_mode<synchronous>, transform_indices = @transform_4, window_bounds = array<i64: 128, 16>}, {pipeline_mode = #tpu.pipeline_mode<synchronous>, transform_indices = @transform_5, window_bounds = array<i64: 1, 16>}, {pipeline_mode = #tpu.pipeline_mode<synchronous>, transform_indices = @transform_6, window_bounds = array<i64: 16, 16>}, {pipeline_mode = #tpu.pipeline_mode<synchronous>, transform_indices = @transform_7, window_bounds = array<i64: 1, 16>}, {pipeline_mode = #tpu.pipeline_mode<synchronous>, transform_indices = @transform_8, window_bounds = array<i64: 16, 16>}, {pipeline_mode = #tpu.pipeline_mode<synchronous>, transform_indices = @transform_9, window_bounds = array<i64: 128, 128>}, {pipeline_mode = #tpu.pipeline_mode<synchronous>, transform_indices = @transform_10, window_bounds = array<i64: 128, 128>}, {pipeline_mode = #tpu.pipeline_mode<synchronous>, transform_indices = @transform_11, window_bounds = array<i64: 8, 16>}, {pipeline_mode = #tpu.pipeline_mode<synchronous>, transform_indices = @transform_12, window_bounds = array<i64: 1, 16>}, {pipeline_mode = #tpu.pipeline_mode<synchronous>, transform_indices = @transform_13, window_bounds = array<i64: 16, 16>}, {pipeline_mode = #tpu.pipeline_mode<synchronous>, transform_indices = @transform_14, window_bounds = array<i64: 1, 16>}, {pipeline_mode = #tpu.pipeline_mode<synchronous>, transform_indices = @transform_15, window_bounds = array<i64: 16, 16>}, {pipeline_mode = #tpu.pipeline_mode<synchronous>, transform_indices = @transform_16, window_bounds = array<i64: 1, 16>}, {pipeline_mode = #tpu.pipeline_mode<synchronous>, transform_indices = @transform_17, window_bounds = array<i64: 16, 16>}, {pipeline_mode = #tpu.pipeline_mode<synchronous>, transform_indices = @transform_18, window_bounds = array<i64: 1, 16>}, {pipeline_mode = #tpu.pipeline_mode<synchronous>, transform_indices = @transform_19, window_bounds = array<i64: 1, 16>}, {pipeline_mode = #tpu.pipeline_mode<synchronous>, transform_indices = @transform_20, window_bounds = array<i64: 1, 1>}, {transform_indices = @transform_21, window_bounds = array<i64: 129, 2048>}]} {
    %get3A = arith.constant 0 : index
    %get3A_0 = arith.constant 0 : index
    %get3A_1 = vector.load %arg1[%get3A, %get3A_0] : memref<2048x128xf32, #tpu.memory_space<vmem>>, vector<2048x128xf32>
    %transpose3A = tpu.transpose %get3A_1, [1, 0] : vector<2048x128xf32> -> vector<128x2048xf32>
    %get3A_2 = arith.constant 0 : index
    %get3A_3 = arith.constant 0 : index
    %get3A_4 = vector.load %arg5[%get3A_2, %get3A_3] : memref<128x16xf32, #tpu.memory_space<vmem>>, vector<128x16xf32>
    %dot_general3A = arith.constant dense<0.000000e+00> : vector<2048x16xf32>
    %dot_general3A_5 = tpu.matmul %get3A_1, %get3A_4, %dot_general3A {dimension_numbers = #tpu.dot_dimension_numbers<[1], [0], [0], [1], [0, 0, 1, 1], [], []>, transpose_lhs_hint = false} : vector<2048x128xf32>, vector<128x16xf32>, vector<2048x16xf32> -> vector<2048x16xf32>
    %get3A_6 = arith.constant 0 : index
    %get3A_7 = arith.constant 0 : index
    %get3A_8 = vector.load %arg6[%get3A_6, %get3A_7] : memref<1x16xf32, #tpu.memory_space<vmem>>, vector<1x16xf32>
    %add3A = vector.broadcast %get3A_8 : vector<1x16xf32> to vector<2048x16xf32>
    %add3A_9 = arith.addf %dot_general3A_5, %add3A : vector<2048x16xf32>
    %max3A = arith.constant 0.000000e+00 : f32
    %max3A_10 = vector.broadcast %max3A : f32 to vector<2048x16xf32>
    %max3A_11 = arith.maximumf %add3A_9, %max3A_10 : vector<2048x16xf32>
    %abs3A = math.absf %add3A_9 : vector<2048x16xf32>
    %neg3A = arith.constant 0.000000e+00 : f32
    %neg3A_12 = vector.broadcast %neg3A : f32 to vector<2048x16xf32>
    %neg3A_13 = arith.subf %neg3A_12, %abs3A : vector<2048x16xf32>
    %exp3A = math.exp %neg3A_13 : vector<2048x16xf32>
    %log1p3A = math.log1p %exp3A : vector<2048x16xf32>
    %add3A_14 = arith.addf %max3A_11, %log1p3A : vector<2048x16xf32>
    %get3A_15 = arith.constant 0 : index
    %get3A_16 = arith.constant 0 : index
    %get3A_17 = vector.load %arg7[%get3A_15, %get3A_16] : memref<16x16xf32, #tpu.memory_space<vmem>>, vector<16x16xf32>
    %dot_general3A_18 = arith.constant dense<0.000000e+00> : vector<2048x16xf32>
    %dot_general3A_19 = tpu.matmul %add3A_14, %get3A_17, %dot_general3A_18 {dimension_numbers = #tpu.dot_dimension_numbers<[1], [0], [0], [1], [0, 0, 1, 1], [], []>, transpose_lhs_hint = false} : vector<2048x16xf32>, vector<16x16xf32>, vector<2048x16xf32> -> vector<2048x16xf32>
    %get3A_20 = arith.constant 0 : index
    %get3A_21 = arith.constant 0 : index
    %get3A_22 = vector.load %arg8[%get3A_20, %get3A_21] : memref<1x16xf32, #tpu.memory_space<vmem>>, vector<1x16xf32>
    %add3A_23 = vector.broadcast %get3A_22 : vector<1x16xf32> to vector<2048x16xf32>
    %add3A_24 = arith.addf %dot_general3A_19, %add3A_23 : vector<2048x16xf32>
    %get3A_25 = arith.constant 0 : index
    %get3A_26 = arith.constant 0 : index
    %get3A_27 = vector.load %arg2[%get3A_25, %get3A_26] : memref<256x128xf32, #tpu.memory_space<vmem>>, vector<256x128xf32>
    %get3A_28 = arith.constant 0 : index
    %get3A_29 = arith.constant 0 : index
    %get3A_30 = vector.load %arg10[%get3A_28, %get3A_29] : memref<128x128xf32, #tpu.memory_space<vmem>>, vector<128x128xf32>
    %dot_general3A_31 = arith.constant dense<0.000000e+00> : vector<256x128xf32>
    %dot_general3A_32 = tpu.matmul %get3A_27, %get3A_30, %dot_general3A_31 {dimension_numbers = #tpu.dot_dimension_numbers<[1], [0], [0], [1], [0, 0, 1, 1], [], []>, transpose_lhs_hint = false} : vector<256x128xf32>, vector<128x128xf32>, vector<256x128xf32> -> vector<256x128xf32>
    %get3A_33 = arith.constant 0 : index
    %get3A_34 = arith.constant 0 : index
    %get3A_35 = vector.load %arg3[%get3A_33, %get3A_34] : memref<256x128xf32, #tpu.memory_space<vmem>>, vector<256x128xf32>
    %get3A_36 = arith.constant 0 : index
    %get3A_37 = arith.constant 0 : index
    %get3A_38 = vector.load %arg11[%get3A_36, %get3A_37] : memref<128x128xf32, #tpu.memory_space<vmem>>, vector<128x128xf32>
    %dot_general3A_39 = arith.constant dense<0.000000e+00> : vector<256x128xf32>
    %dot_general3A_40 = tpu.matmul %get3A_35, %get3A_38, %dot_general3A_39 {dimension_numbers = #tpu.dot_dimension_numbers<[1], [0], [0], [1], [0, 0, 1, 1], [], []>, transpose_lhs_hint = false} : vector<256x128xf32>, vector<128x128xf32>, vector<256x128xf32> -> vector<256x128xf32>
    %add3A_41 = arith.addf %dot_general3A_32, %dot_general3A_40 : vector<256x128xf32>
    %slice3A = vector.extract_strided_slice %add3A_41 {offsets = [0, 0], sizes = [256, 16], strides = [1, 1]} : vector<256x128xf32> to vector<256x16xf32>
    %slice3A_42 = vector.extract_strided_slice %add3A_41 {offsets = [0, 16], sizes = [256, 16], strides = [1, 1]} : vector<256x128xf32> to vector<256x16xf32>
    %slice3A_43 = vector.extract_strided_slice %add3A_41 {offsets = [0, 32], sizes = [256, 16], strides = [1, 1]} : vector<256x128xf32> to vector<256x16xf32>
    %slice3A_44 = vector.extract_strided_slice %add3A_41 {offsets = [0, 48], sizes = [256, 16], strides = [1, 1]} : vector<256x128xf32> to vector<256x16xf32>
    %slice3A_45 = vector.extract_strided_slice %add3A_41 {offsets = [0, 64], sizes = [256, 16], strides = [1, 1]} : vector<256x128xf32> to vector<256x16xf32>
    %slice3A_46 = vector.extract_strided_slice %add3A_41 {offsets = [0, 80], sizes = [256, 16], strides = [1, 1]} : vector<256x128xf32> to vector<256x16xf32>
    %slice3A_47 = vector.extract_strided_slice %add3A_41 {offsets = [0, 96], sizes = [256, 16], strides = [1, 1]} : vector<256x128xf32> to vector<256x16xf32>
    %slice3A_48 = vector.extract_strided_slice %add3A_41 {offsets = [0, 112], sizes = [256, 16], strides = [1, 1]} : vector<256x128xf32> to vector<256x16xf32>
    %stack3A = vector.shape_cast %slice3A : vector<256x16xf32> to vector<256x1x16xf32>
    %stack3A_49 = vector.shape_cast %slice3A_42 : vector<256x16xf32> to vector<256x1x16xf32>
    %stack3A_50 = vector.shape_cast %slice3A_43 : vector<256x16xf32> to vector<256x1x16xf32>
    %stack3A_51 = vector.shape_cast %slice3A_44 : vector<256x16xf32> to vector<256x1x16xf32>
    %stack3A_52 = vector.shape_cast %slice3A_45 : vector<256x16xf32> to vector<256x1x16xf32>
    %stack3A_53 = vector.shape_cast %slice3A_46 : vector<256x16xf32> to vector<256x1x16xf32>
    %stack3A_54 = vector.shape_cast %slice3A_47 : vector<256x16xf32> to vector<256x1x16xf32>
    %stack3A_55 = vector.shape_cast %slice3A_48 : vector<256x16xf32> to vector<256x1x16xf32>
    %stack3A_56 = tpu.concatenate %stack3A, %stack3A_49, %stack3A_50, %stack3A_51, %stack3A_52, %stack3A_53, %stack3A_54, %stack3A_55 in 1 : vector<256x1x16xf32>, vector<256x1x16xf32>, vector<256x1x16xf32>, vector<256x1x16xf32>, vector<256x1x16xf32>, vector<256x1x16xf32>, vector<256x1x16xf32>, vector<256x1x16xf32> -> vector<256x8x16xf32>
    %reshape3A = vector.shape_cast %stack3A_56 : vector<256x8x16xf32> to vector<2048x16xf32>
    %get3A_57 = arith.constant 0 : index
    %get3A_58 = arith.constant 0 : index
    %get3A_59 = vector.load %arg4[%get3A_57, %get3A_58] : memref<1x8xf32, #tpu.memory_space<vmem>>, vector<1x8xf32>
    %get3A_60 = arith.constant 0 : index
    %get3A_61 = arith.constant 0 : index
    %get3A_62 = vector.load %arg12[%get3A_60, %get3A_61] : memref<8x16xf32, #tpu.memory_space<vmem>>, vector<8x16xf32>
    %dot_general3A_63 = arith.constant dense<0.000000e+00> : vector<1x16xf32>
    %dot_general3A_64 = tpu.matmul %get3A_59, %get3A_62, %dot_general3A_63 {dimension_numbers = #tpu.dot_dimension_numbers<[1], [0], [0], [1], [0, 0, 1, 1], [], []>, transpose_lhs_hint = false} : vector<1x8xf32>, vector<8x16xf32>, vector<1x16xf32> -> vector<1x16xf32>
    %get3A_65 = arith.constant 0 : index
    %get3A_66 = arith.constant 0 : index
    %get3A_67 = vector.load %arg13[%get3A_65, %get3A_66] : memref<1x16xf32, #tpu.memory_space<vmem>>, vector<1x16xf32>
    %add3A_68 = arith.addf %dot_general3A_64, %get3A_67 : vector<1x16xf32>
    %get3A_69 = arith.constant 0 : index
    %get3A_70 = arith.constant 0 : index
    %get3A_71 = vector.load %arg9[%get3A_69, %get3A_70] : memref<16x16xf32, #tpu.memory_space<vmem>>, vector<16x16xf32>
    %dot_general3A_72 = arith.constant dense<0.000000e+00> : vector<2048x16xf32>
    %dot_general3A_73 = tpu.matmul %add3A_24, %get3A_71, %dot_general3A_72 {dimension_numbers = #tpu.dot_dimension_numbers<[1], [0], [0], [1], [0, 0, 1, 1], [], []>, transpose_lhs_hint = false} : vector<2048x16xf32>, vector<16x16xf32>, vector<2048x16xf32> -> vector<2048x16xf32>
    %add3A_74 = arith.addf %dot_general3A_73, %reshape3A : vector<2048x16xf32>
    %add3A_75 = vector.broadcast %add3A_68 : vector<1x16xf32> to vector<2048x16xf32>
    %add3A_76 = arith.addf %add3A_74, %add3A_75 : vector<2048x16xf32>
    %max3A_77 = arith.constant 0.000000e+00 : f32
    %max3A_78 = vector.broadcast %max3A_77 : f32 to vector<2048x16xf32>
    %max3A_79 = arith.maximumf %add3A_76, %max3A_78 : vector<2048x16xf32>
    %abs3A_80 = math.absf %add3A_76 : vector<2048x16xf32>
    %neg3A_81 = arith.constant 0.000000e+00 : f32
    %neg3A_82 = vector.broadcast %neg3A_81 : f32 to vector<2048x16xf32>
    %neg3A_83 = arith.subf %neg3A_82, %abs3A_80 : vector<2048x16xf32>
    %exp3A_84 = math.exp %neg3A_83 : vector<2048x16xf32>
    %log1p3A_85 = math.log1p %exp3A_84 : vector<2048x16xf32>
    %add3A_86 = arith.addf %max3A_79, %log1p3A_85 : vector<2048x16xf32>
    %get3A_87 = arith.constant 0 : index
    %get3A_88 = arith.constant 0 : index
    %get3A_89 = vector.load %arg14[%get3A_87, %get3A_88] : memref<16x16xf32, #tpu.memory_space<vmem>>, vector<16x16xf32>
    %dot_general3A_90 = arith.constant dense<0.000000e+00> : vector<2048x16xf32>
    %dot_general3A_91 = tpu.matmul %add3A_86, %get3A_89, %dot_general3A_90 {dimension_numbers = #tpu.dot_dimension_numbers<[1], [0], [0], [1], [0, 0, 1, 1], [], []>, transpose_lhs_hint = false} : vector<2048x16xf32>, vector<16x16xf32>, vector<2048x16xf32> -> vector<2048x16xf32>
    %get3A_92 = arith.constant 0 : index
    %get3A_93 = arith.constant 0 : index
    %get3A_94 = vector.load %arg15[%get3A_92, %get3A_93] : memref<1x16xf32, #tpu.memory_space<vmem>>, vector<1x16xf32>
    %add3A_95 = vector.broadcast %get3A_94 : vector<1x16xf32> to vector<2048x16xf32>
    %add3A_96 = arith.addf %dot_general3A_91, %add3A_95 : vector<2048x16xf32>
    %get3A_97 = arith.constant 0 : index
    %get3A_98 = arith.constant 0 : index
    %get3A_99 = vector.load %arg16[%get3A_97, %get3A_98] : memref<16x16xf32, #tpu.memory_space<vmem>>, vector<16x16xf32>
    %dot_general3A_100 = arith.constant dense<0.000000e+00> : vector<2048x16xf32>
    %dot_general3A_101 = tpu.matmul %add3A_96, %get3A_99, %dot_general3A_100 {dimension_numbers = #tpu.dot_dimension_numbers<[1], [0], [0], [1], [0, 0, 1, 1], [], []>, transpose_lhs_hint = false} : vector<2048x16xf32>, vector<16x16xf32>, vector<2048x16xf32> -> vector<2048x16xf32>
    %get3A_102 = arith.constant 0 : index
    %get3A_103 = arith.constant 0 : index
    %get3A_104 = vector.load %arg17[%get3A_102, %get3A_103] : memref<1x16xf32, #tpu.memory_space<vmem>>, vector<1x16xf32>
    %add3A_105 = vector.broadcast %get3A_104 : vector<1x16xf32> to vector<2048x16xf32>
    %add3A_106 = arith.addf %dot_general3A_101, %add3A_105 : vector<2048x16xf32>
    %max3A_107 = arith.constant 0.000000e+00 : f32
    %max3A_108 = vector.broadcast %max3A_107 : f32 to vector<2048x16xf32>
    %max3A_109 = arith.maximumf %add3A_106, %max3A_108 : vector<2048x16xf32>
    %abs3A_110 = math.absf %add3A_106 : vector<2048x16xf32>
    %neg3A_111 = arith.constant 0.000000e+00 : f32
    %neg3A_112 = vector.broadcast %neg3A_111 : f32 to vector<2048x16xf32>
    %neg3A_113 = arith.subf %neg3A_112, %abs3A_110 : vector<2048x16xf32>
    %exp3A_114 = math.exp %neg3A_113 : vector<2048x16xf32>
    %log1p3A_115 = math.log1p %exp3A_114 : vector<2048x16xf32>
    %add3A_116 = arith.addf %max3A_109, %log1p3A_115 : vector<2048x16xf32>
    %get3A_117 = arith.constant 0 : index
    %get3A_118 = arith.constant 0 : index
    %get3A_119 = vector.load %arg18[%get3A_117, %get3A_118] : memref<16x16xf32, #tpu.memory_space<vmem>>, vector<16x16xf32>
    %dot_general3A_120 = arith.constant dense<0.000000e+00> : vector<2048x16xf32>
    %dot_general3A_121 = tpu.matmul %add3A_116, %get3A_119, %dot_general3A_120 {dimension_numbers = #tpu.dot_dimension_numbers<[1], [0], [0], [1], [0, 0, 1, 1], [], []>, transpose_lhs_hint = false} : vector<2048x16xf32>, vector<16x16xf32>, vector<2048x16xf32> -> vector<2048x16xf32>
    %get3A_122 = arith.constant 0 : index
    %get3A_123 = arith.constant 0 : index
    %get3A_124 = vector.load %arg19[%get3A_122, %get3A_123] : memref<1x16xf32, #tpu.memory_space<vmem>>, vector<1x16xf32>
    %add3A_125 = vector.broadcast %get3A_124 : vector<1x16xf32> to vector<2048x16xf32>
    %add3A_126 = arith.addf %dot_general3A_121, %add3A_125 : vector<2048x16xf32>
    %max3A_127 = arith.constant 0.000000e+00 : f32
    %max3A_128 = vector.broadcast %max3A_127 : f32 to vector<2048x16xf32>
    %max3A_129 = arith.maximumf %add3A_126, %max3A_128 : vector<2048x16xf32>
    %abs3A_130 = math.absf %add3A_126 : vector<2048x16xf32>
    %neg3A_131 = arith.constant 0.000000e+00 : f32
    %neg3A_132 = vector.broadcast %neg3A_131 : f32 to vector<2048x16xf32>
    %neg3A_133 = arith.subf %neg3A_132, %abs3A_130 : vector<2048x16xf32>
    %exp3A_134 = math.exp %neg3A_133 : vector<2048x16xf32>
    %log1p3A_135 = math.log1p %exp3A_134 : vector<2048x16xf32>
    %add3A_136 = arith.addf %max3A_129, %log1p3A_135 : vector<2048x16xf32>
    %get3A_137 = arith.constant 0 : index
    %get3A_138 = arith.constant 0 : index
    %get3A_139 = vector.load %arg20[%get3A_137, %get3A_138] : memref<1x16xf32, #tpu.memory_space<vmem>>, vector<1x16xf32>
    %transpose3A_140 = tpu.transpose %add3A_136, [1, 0] : vector<2048x16xf32> -> vector<16x2048xf32>
    %dot_general3A_141 = arith.constant dense<0.000000e+00> : vector<1x2048xf32>
    %dot_general3A_142 = tpu.matmul %get3A_139, %transpose3A_140, %dot_general3A_141 {dimension_numbers = #tpu.dot_dimension_numbers<[1], [0], [0], [1], [0, 0, 1, 1], [], []>, transpose_lhs_hint = false} : vector<1x16xf32>, vector<16x2048xf32>, vector<1x2048xf32> -> vector<1x2048xf32>
    %get3A_143 = arith.constant 0 : index
    %get3A_144 = arith.constant 0 : index
    %get3A_145 = vector.load %arg21[%get3A_143, %get3A_144] : memref<1x1xf32, #tpu.memory_space<vmem>>, vector<1x1xf32>
    %add3A_146 = vector.broadcast %get3A_145 : vector<1x1xf32> to vector<1x2048xf32>
    %add3A_147 = arith.addf %dot_general3A_142, %add3A_146 : vector<1x2048xf32>
    %slice3A_148 = vector.extract_strided_slice %transpose3A {offsets = [127, 0], sizes = [1, 2048], strides = [1, 1]} : vector<128x2048xf32> to vector<1x2048xf32>
    %mul3A = arith.constant 0.00999999977 : f32
    %mul3A_149 = vector.broadcast %mul3A : f32 to vector<1x2048xf32>
    %mul3A_150 = arith.mulf %add3A_147, %mul3A_149 : vector<1x2048xf32>
    %add3A_151 = arith.addf %slice3A_148, %mul3A_150 : vector<1x2048xf32>
    %slice3A_152 = vector.extract_strided_slice %transpose3A {offsets = [0, 0], sizes = [1, 2048], strides = [1, 1]} : vector<128x2048xf32> to vector<1x2048xf32>
    %mul3A_153 = arith.constant 0.00999999977 : f32
    %mul3A_154 = vector.broadcast %mul3A_153 : f32 to vector<1x2048xf32>
    %mul3A_155 = arith.mulf %add3A_151, %mul3A_154 : vector<1x2048xf32>
    %add3A_156 = arith.addf %slice3A_152, %mul3A_155 : vector<1x2048xf32>
    %slice3A_157 = vector.extract_strided_slice %transpose3A {offsets = [2, 0], sizes = [126, 2048], strides = [1, 1]} : vector<128x2048xf32> to vector<126x2048xf32>
    %concatenate3A = tpu.concatenate %add3A_156, %slice3A_157, %add3A_151, %add3A_147 in 0 : vector<1x2048xf32>, vector<126x2048xf32>, vector<1x2048xf32>, vector<1x2048xf32> -> vector<129x2048xf32>
    %swap3A = arith.constant 0 : index
    %swap3A_158 = arith.constant 0 : index
    %swap3A_159 = vector.load %arg22[%swap3A, %swap3A_158] : memref<129x2048xf32, #tpu.memory_space<vmem>>, vector<129x2048xf32>
    tpu.vector_store %arg22[%swap3A, %swap3A_158], %concatenate3A {strides = array<i32>} : memref<129x2048xf32, #tpu.memory_space<vmem>>, vector<129x2048xf32>,
    return
  }
  func.func @transform_0(%arg0: i32) -> (i32, i32) {
    %c0_i32 = arith.constant 0 : i32
    %c0_i32_0 = arith.constant 0 : i32
    return %arg0, %c0_i32 : i32, i32
  }
  func.func @transform_1(%arg0: i32) -> (i32, i32) {
    %c0_i32 = arith.constant 0 : i32
    %c0_i32_0 = arith.constant 0 : i32
    return %arg0, %c0_i32 : i32, i32
  }
  func.func @transform_2(%arg0: i32) -> (i32, i32) {
    %c0_i32 = arith.constant 0 : i32
    %c0_i32_0 = arith.constant 0 : i32
    return %arg0, %c0_i32 : i32, i32
  }
  func.func @transform_3(%arg0: i32) -> (i32, i32) {
    %c0_i32 = arith.constant 0 : i32
    %c0_i32_0 = arith.constant 0 : i32
    %c0_i32_1 = arith.constant 0 : i32
    return %c0_i32, %c0_i32_0 : i32, i32
  }
  func.func @transform_4(%arg0: i32) -> (i32, i32) {
    %c0_i32 = arith.constant 0 : i32
    %c0_i32_0 = arith.constant 0 : i32
    %c0_i32_1 = arith.constant 0 : i32
    return %c0_i32, %c0_i32_0 : i32, i32
  }
  func.func @transform_5(%arg0: i32) -> (i32, i32) {
    %c0_i32 = arith.constant 0 : i32
    %c0_i32_0 = arith.constant 0 : i32
    %c0_i32_1 = arith.constant 0 : i32
    return %c0_i32, %c0_i32_0 : i32, i32
  }
  func.func @transform_6(%arg0: i32) -> (i32, i32) {
    %c0_i32 = arith.constant 0 : i32
    %c0_i32_0 = arith.constant 0 : i32
    %c0_i32_1 = arith.constant 0 : i32
    return %c0_i32, %c0_i32_0 : i32, i32
  }
  func.func @transform_7(%arg0: i32) -> (i32, i32) {
    %c0_i32 = arith.constant 0 : i32
    %c0_i32_0 = arith.constant 0 : i32
    %c0_i32_1 = arith.constant 0 : i32
    return %c0_i32, %c0_i32_0 : i32, i32
  }
  func.func @transform_8(%arg0: i32) -> (i32, i32) {
    %c0_i32 = arith.constant 0 : i32
    %c0_i32_0 = arith.constant 0 : i32
    %c0_i32_1 = arith.constant 0 : i32
    return %c0_i32, %c0_i32_0 : i32, i32
  }
  func.func @transform_9(%arg0: i32) -> (i32, i32) {
    %c0_i32 = arith.constant 0 : i32
    %c0_i32_0 = arith.constant 0 : i32
    %c0_i32_1 = arith.constant 0 : i32
    return %c0_i32, %c0_i32_0 : i32, i32
  }
  func.func @transform_10(%arg0: i32) -> (i32, i32) {
    %c0_i32 = arith.constant 0 : i32
    %c0_i32_0 = arith.constant 0 : i32
    %c0_i32_1 = arith.constant 0 : i32
    return %c0_i32, %c0_i32_0 : i32, i32
  }
  func.func @transform_11(%arg0: i32) -> (i32, i32) {
    %c0_i32 = arith.constant 0 : i32
    %c0_i32_0 = arith.constant 0 : i32
    %c0_i32_1 = arith.constant 0 : i32
    return %c0_i32, %c0_i32_0 : i32, i32
  }
  func.func @transform_12(%arg0: i32) -> (i32, i32) {
    %c0_i32 = arith.constant 0 : i32
    %c0_i32_0 = arith.constant 0 : i32
    %c0_i32_1 = arith.constant 0 : i32
    return %c0_i32, %c0_i32_0 : i32, i32
  }
  func.func @transform_13(%arg0: i32) -> (i32, i32) {
    %c0_i32 = arith.constant 0 : i32
    %c0_i32_0 = arith.constant 0 : i32
    %c0_i32_1 = arith.constant 0 : i32
    return %c0_i32, %c0_i32_0 : i32, i32
  }
  func.func @transform_14(%arg0: i32) -> (i32, i32) {
    %c0_i32 = arith.constant 0 : i32
    %c0_i32_0 = arith.constant 0 : i32
    %c0_i32_1 = arith.constant 0 : i32
    return %c0_i32, %c0_i32_0 : i32, i32
  }
  func.func @transform_15(%arg0: i32) -> (i32, i32) {
    %c0_i32 = arith.constant 0 : i32
    %c0_i32_0 = arith.constant 0 : i32
    %c0_i32_1 = arith.constant 0 : i32
    return %c0_i32, %c0_i32_0 : i32, i32
  }
  func.func @transform_16(%arg0: i32) -> (i32, i32) {
    %c0_i32 = arith.constant 0 : i32
    %c0_i32_0 = arith.constant 0 : i32
    %c0_i32_1 = arith.constant 0 : i32
    return %c0_i32, %c0_i32_0 : i32, i32
  }
  func.func @transform_17(%arg0: i32) -> (i32, i32) {
    %c0_i32 = arith.constant 0 : i32
    %c0_i32_0 = arith.constant 0 : i32
    %c0_i32_1 = arith.constant 0 : i32
    return %c0_i32, %c0_i32_0 : i32, i32
  }
  func.func @transform_18(%arg0: i32) -> (i32, i32) {
    %c0_i32 = arith.constant 0 : i32
    %c0_i32_0 = arith.constant 0 : i32
    %c0_i32_1 = arith.constant 0 : i32
    return %c0_i32, %c0_i32_0 : i32, i32
  }
  func.func @transform_19(%arg0: i32) -> (i32, i32) {
    %c0_i32 = arith.constant 0 : i32
    %c0_i32_0 = arith.constant 0 : i32
    %c0_i32_1 = arith.constant 0 : i32
    return %c0_i32, %c0_i32_0 : i32, i32
  }
  func.func @transform_20(%arg0: i32) -> (i32, i32) {
    %c0_i32 = arith.constant 0 : i32
    %c0_i32_0 = arith.constant 0 : i32
    %c0_i32_1 = arith.constant 0 : i32
    return %c0_i32, %c0_i32_0 : i32, i32
  }
  func.func @transform_21(%arg0: i32) -> (i32, i32) {
    %c0_i32 = arith.constant 0 : i32
    %c0_i32_0 = arith.constant 0 : i32
    return %c0_i32, %arg0 : i32, i32
  }
}

</mosaic_0001>

<sc_bundles>
// kernel: kernel.5.cloned.1.call-start
scs
__scs_entry_jumppad:
0x0: {  	(pc) =	sbr.rel $0x88, $3  }
0x1: {  	(tag) =	ssettag $0x0;
	lr =	simm.s32 $0x1  }
0x2: {  	[smem:$0x3F8A] =	sst lr;
	_ =	strace $0xD0000000  }
0x3: {  	_ = 	snop  }
0x4: {  	_ = 	snop  }
0x5: {  	_ = 	snop  }
0x6: {  	_ = 	snop  }
0x7: {  	_ = 	snop  }
__scs_overlays_trampoline_lowered:
0x8: {  	[smem:$0x3F99] =	sst s0  }
0x9: {  	[smem:$0x3F9A] =	sst s1  }
0xa: {  	[smem:$0x3F9B] =	sst s2  }
0xb: {  	[smem:$0x3F9C] =	sst s3  }
0xc: {  	[smem:$0x3F9D] =	sst s4  }
0xd: {  	[smem:$0x3F9E] =	sst s5  }
0xe: {  	[smem:$0x3F9F] =	sst s6  }
0xf: {  	[smem:$0x3FA0] =	sst s7  }
0x10: {  	[smem:$0x3FA1] =	sst s8  }
0x11: {  	[smem:$0x3FA2] =	sst s9;
	s0 =	simm.s32 @!p0 $0x0  }
0x12: {  	s1 =	sld [smem:$0x3F88];
	s0 =	simm.s32 @p0 $0x1  }
0x13: {  	[smem:$0x3FA3] =	sst s0;
	s0 =	simm.s32 @!p1 $0x0  }
0x14: {  	s2 =	sld [smem:$0x3F87];
	s0 =	simm.s32 @p1 $0x1  }
0x15: {  	[smem:$0x3FA4] =	sst s0;
	s0 =	simm.s32 @!p2 $0x0  }
0x16: {  	s3 =	sld [smem:$0x3FDB];
	s0 =	simm.s32 @p2 $0x1  }
0x17: {  	s4 =	simm.s32 $0x1BF5;
	[smem:$0x3FA6] =	sst s0  }
0x18: {  	s0 =	sld [smem:$0x3F89];
	_ =	swait.ge [sflag:s4], $0x0  }
0x19: {  	s7 =	sld [smem:$0x3F8A]  }
0x1a: {  	s8 =	sadd.s32 $0xFFFFE003, lr  }
0x1b: {  	s9 =	sadd.s32 $0xFFFFFEF7, lr;
	s5 =	simm.s32 $0xFFFFFFFF;
	p2 =	slt.u32 s8, $0xFFFFF086  }
0x1c: {  	p1 =	slt.u32 s9, $0xF7A;
	s5 =	simm.s32 @!p2 $0x0  }
0x1d: {  	s5 =	simm.s32 @p1 $0x1;
	p0 =	seq.s32 s7, s2  }
0x1e: {  	s7 =	smul.u32 @!p0 $0xF7A, s2;
	p2 =	seq.s32 @!p0 s5, $0x0  }
0x1f: {  	s9 =	smul.u32 $0xF7A, s1;
	s8 =	simm.s32 @!p0 $0x1BF5;
	p2 =	por !p2, p0  }
0x20: {  	[sflag:s8] =	ssyncset.s32 @!p0 $0xFFFFF086;
	s6 =	sadd.s32 @!p0 s3, s7;
	s7 =	simm.s32 @!p0 $0x108  }
0x21: {  	s3 =	sadd.s32 s3, s9;
	s6 =	sadd.s32 @!p0 $0x88, s6;
	s7 =	simm.s32 @p2 $0x1082  }
0x22: {  	[simem:s7], [sflag:s8] =	dma.local @!p0 [hbm:s6], $0xF7A  }
0x23: {  	s9 =	sor.u32 $0xD0000000, s2;
	s6 =	simm.s32 $0x108;
	_ =	swait.ge @!p0 [sflag:s8], $0x0  }
0x24: {  	s3 =	sadd.s32 $0x88, s3;
	s6 =	simm.s32 @!p1 $0x1082;
	[sflag:s4] =	ssyncset.s32 $0xFFFFF086  }
0x25: {  	[simem:s6], [sflag:s4] =	dma.local [hbm:s3], $0xF7A  }
0x26: {  	[smem:$0x3F8A] =	sst s1;
	(tag) =	ssettag s2;
	_ =	strace s9  }
0x27: {  	s1 =	sld [smem:$0x3F9A]  }
0x28: {  	s2 =	sld [smem:$0x3F9B]  }
0x29: {  	s4 =	sld [smem:$0x3F9D]  }
0x2a: {  	p0 =	seq.s32 s5, $0x0;
	s5 =	sld [smem:$0x3F9E]  }
0x2b: {  	s6 =	sld [smem:$0x3F9F]  }
0x2c: {  	s7 =	sld [smem:$0x3FA0]  }
0x2d: {  	s3 =	simm.s32 $0x108;
	s8 =	sld [smem:$0x3FA1]  }
0x2e: {  	s3 =	simm.s32 @!p0 $0x1082;
	s9 =	sld [smem:$0x3FA2]  }
0x2f: {  	lr =	sadd.s32 s0, s3;
	s0 =	sld [smem:$0x3F99]  }
0x30: {  	s3 =	sld [smem:$0x3F9C]  }
0x31: {  	[smem:$0x3FA5] =	sst s10  }
0x32: {  	s10 =	sld [smem:$0x3FA3];
	_ =	sdelay $0x3  }
0x33: {  	p0 =	seq.s32 s10, $0x1;
	s10 =	sld [smem:$0x3FA5];
	_ =	sdelay $0x3  }
0x34: {  	[smem:$0x3FA5] =	sst s10  }
0x35: {  	s10 =	sld [smem:$0x3FA4];
	_ =	sdelay $0x3  }
0x36: {  	p1 =	seq.s32 s10, $0x1;
	s10 =	sld [smem:$0x3FA5];
	_ =	sdelay $0x3  }
0x37: {  	[smem:$0x3FA5] =	sst s10  }
0x38: {  	s10 =	sld [smem:$0x3FA6]  }
0x39: {  	_ = 	snop;
	(pc) =	sbr.ind lr, $3  }
0x3a: {  	_ = 	snop  }
0x3b: {  	_ = 	snop  }
0x3c: {  	p2 =	seq.s32 s10, $0x1;
	s10 =	sld [smem:$0x3FA5]  }
0x3d: {  	_ =	shalt  }
0x3e: {  	_ =	shalt  }
0x3f: {  	_ =	shalt  }
0x40: {  	_ =	shalt  }
0x41: {  	_ =	shalt  }
0x42: {  	_ =	shalt  }
0x43: {  	_ =	shalt  }
0x44: {  	_ =	shalt  }
0x45: {  	_ =	shalt  }
0x46: {  	_ =	shalt  }
0x47: {  	_ =	shalt  }
0x48: {  	_ =	shalt  }
0x49: {  	_ =	shalt  }
0x4a: {  	_ =	shalt  }
0x4b: {  	_ =	shalt  }
0x4c: {  	_ =	shalt  }
0x4d: {  	_ =	shalt  }
0x4e: {  	_ =	shalt  }
0x4f: {  	_ =	shalt  }
0x50: {  	_ =	shalt  }
0x51: {  	_ =	shalt  }
0x52: {  	_ =	shalt  }
0x53: {  	_ =	shalt  }
0x54: {  	_ =	shalt  }
0x55: {  	_ =	shalt  }
0x56: {  	_ =	shalt  }
0x57: {  	_ =	shalt  }
0x58: {  	_ =	shalt  }
0x59: {  	_ =	shalt  }
0x5a: {  	_ =	shalt  }
0x5b: {  	_ =	shalt  }
0x5c: {  	_ =	shalt  }
0x5d: {  	_ =	shalt  }
0x5e: {  	_ =	shalt  }
0x5f: {  	_ =	shalt  }
0x60: {  	_ =	shalt  }
0x61: {  	_ =	shalt  }
0x62: {  	_ =	shalt  }
0x63: {  	_ =	shalt  }
0x64: {  	_ =	shalt  }
0x65: {  	_ =	shalt  }
0x66: {  	_ =	shalt  }
0x67: {  	_ =	shalt  }
0x68: {  	_ =	shalt  }
0x69: {  	_ =	shalt  }
0x6a: {  	_ =	shalt  }
0x6b: {  	_ =	shalt  }
0x6c: {  	_ =	shalt  }
0x6d: {  	_ =	shalt  }
0x6e: {  	_ =	shalt  }
0x6f: {  	_ =	shalt  }
0x70: {  	_ =	shalt  }
0x71: {  	_ =	shalt  }
0x72: {  	_ =	shalt  }
0x73: {  	_ =	shalt  }
0x74: {  	_ =	shalt  }
0x75: {  	_ =	shalt  }
0x76: {  	_ =	shalt  }
0x77: {  	_ =	shalt  }
0x78: {  	_ =	shalt  }
0x79: {  	_ =	shalt  }
0x7a: {  	_ =	shalt  }
0x7b: {  	_ =	shalt  }
0x7c: {  	_ =	shalt  }
0x7d: {  	_ =	shalt  }
0x7e: {  	_ =	shalt  }
0x7f: {  	_ =	shalt  }
0x80: {  	_ =	shalt  }
0x81: {  	_ =	shalt  }
0x82: {  	_ =	shalt  }
0x83: {  	_ =	shalt  }
0x84: {  	_ =	shalt  }
0x85: {  	_ =	shalt  }
0x86: {  	_ =	shalt  }
0x87: {  	_ =	shalt  }
.Lfunc_end0:
.L_simem_size_0:
called_computation.1_lowered:
.L_overlay_start_0:
0x88: {  	s2 =	sld [smem:$0x3FD9]  }
0x89: {  	s3 =	sld [smem:$0x3FFE];
	_ =	sdelay $0x1  }
0x8a: {  	s1 =	srdreg.scid  }
0x8b: {  	s0 =	sand.u32 $0x1, s1  }
0x8c: {  	s14 =	sshll.u32 s0, $0xA;
	s2 =	sadd.s32 s3, s2  }
0x8d: {  	s2 =	sadd.s32 s2, s14  }
0x8e: {  	[smem:$0x3FB1] =	sst s2  }
0x8f: {  	_ = 	snop  }
0x90: {  	s2 =	sld [smem:$0x3FD0];
	_ =	sdelay $0x1  }
0x91: {  	s15 =	sld [smem:$0x3FC7]  }
0x92: {  	s5 =	simm.s32 $0xA;
	s6 =	simm.s32 $0x10;
	s4 =	sld [smem:$0x3FC6]  }
0x93: {  	[smem:s6], [sflag:s5] =	dma.local [hbm:s2], $0x1  }
0x94: {  	_ =	swait.eq [sflag:s5], $0x1  }
0x95: {  	[sflag:s5] =	ssyncset.done $0x0  }
0x96: {  	[sflag:s5] =	ssyncadd.s32 $0xFFFFFFFF  }
0x97: {  	s16 =	sld [smem:$0x10];
	(tm) =	ssettm $0x1  }
0x98: {  	s17 =	sld [smem:$0x3FFB];
	_ =	sdelay $0x3  }
0x99: {  	_ =	strace s17  }
0x9a: {  	s5 =	sld [smem:$0x3FFC];
	_ =	sdelay $0x3  }
0x9b: {  	_ =	strace s5  }
0x9c: {  	s5 =	sld [smem:$0x3FFD];
	_ =	sdelay $0x3  }
0x9d: {  	_ =	strace s5  }
0x9e: {  	_ =	strace $0x8FFFFFFF  }
0x9f: {  	s18 =	sld [smem:$0x3FDB];
	_ =	sdelay $0x1  }
0xa0: {  	s19 =	simm.s32 $_scs_section_size  }
0xa1: {  	s7 =	simm.s32 $_size__tile_overlayer_lowered;
	s8 =	simm.s32 $_tile_overlayer_lowered  }
0xa2: {  	s22 =	simm.s32 $0x1BFF;
	s21 =	sshll.u32 s8, $0x1;
	s5 =	sadd.s32 s19, s18  }
0xa3: {  	s9 =	simm.s32 $0x0;
	s20 =	sshll.u32 s7, $0x1;
	s7 =	sadd.s32 s21, s5  }
0xa4: {  	[timem:s9], [sflag:s22] =	dma.local [hbm:s7], s20  }
0xa5: {  	_ =	swait.ge [sflag:s22], s20  }
0xa6: {  	s6 =	ssub.s32 $0x0, s20;
	[sflag:s22] =	ssyncset.done $0x0  }
0xa7: {  	[sflag:s22] =	ssyncadd.s32 s6;
	_ =	sdelay $0x1  }
0xa8: {  	s23 =	simm.s32 $0x1B8B  }
0xa9: {  	_ =	swait.ge [sflag:s23], $0x1  }
0xaa: {  	[sflag:s23] =	ssyncset.done $0x0  }
0xab: {  	s25 =	simm.s32 $0x1B8E;
	s24 =	sld [smem:$0x3FFE];
	[sflag:s23] =	ssyncadd.s32 $0xFFFFFFFF  }
0xac: {  	s26 =	simm.s32 $execute0_lowered;
	[smem:$0x3FD2] =	sst s25  }
0xad: {  	s7 =	sshll.u32 s26, $0x1;
	_ =	strace $0x80000049;
	[dreg:$0x1] =	wrdreg $0xFFFFFFFF  }
0xae: {  	s28 =	simm.s32 $_size_execute0_lowered;
	s5 =	sadd.s32 s5, s7;
	[dreg:$0x0] =	wrdreg $0x0  }
0xaf: {  	s7 =	sshll.u32 s28, $0x1;
	[dreg:$0x2] =	wrdreg s5  }
0xb0: {  	[dreg:$0x3] =	wrdreg s7  }
0xb1: {  	[dreg:$0x4] =	wrdreg $0xC0  }
0xb2: {  	_ =	task [dreg:s9], $0x5FFFF  }
0xb3: {  	[dreg:$0x1] =	wrdreg $0xFFFFFFFF  }
0xb4: {  	[dreg:$0x0] =	wrdreg $0x60  }
0xb5: {  	[dreg:$0x2] =	wrdreg s24  }
0xb6: {  	[dreg:$0x3] =	wrdreg s15  }
0xb7: {  	[dreg:$0x4] =	wrdreg s4  }
0xb8: {  	[dreg:$0x5] =	wrdreg s16  }
0xb9: {  	[dreg:$0x6] =	wrdreg $0x0  }
0xba: {  	[dreg:$0x7] =	wrdreg $0x9  }
0xbb: {  	_ =	task.clear_ibuf [dreg:s9], $0x8FFFF;
	_ =	strace $0x90000049  }
0xbc: {  	s29 =	simm.s32 $0x9;
	_ =	strace $0x8000004B  }
0xbd: {  	_ =	swait.ge [sflag:s29], $0x1  }
0xbe: {  	[sflag:s29] =	ssyncadd.s32 $0xFFFFFFFF  }
0xbf: {  	_ =	strace $0x9000004B  }
0xc0: {  	_ =	sfence  }
0xc1: {  	s30 =	sld [smem:$0x0];
	_ =	sdelay $0x2  }
0xc2: {  	s31 =	sshll.u32 s1, $0xD;
	s1 =	sshrl.u32 s1, $0x2  }
0xc3: {  	s3 =	sand.u32 $0x4000, s31;
	s1 =	sadd.s32 s1, s30  }
0xc4: {  	s0 =	sor.u32 s3, s0;
	s1 =	sshll.u32 s1, $0x11  }
0xc5: {  	s0 =	sor.u32 s1, s0  }
0xc6: {  	s0 =	sadd.s32 $0x8F2B, s0  }
0xc7: {  	[sflag:s0] =	ssyncadd.remote.s32 $0x1  }
0xc8: {  	_ =	sfence.sel $0xFFFF  }
0xc9: {  	[dreg:$0x0] =	wrdreg $0xFFFFFFFF;
	(pc) =	sbr.abs _section_cstart, $3  }
0xca: {  	[dreg:$0x1] =	wrdreg $0xFFFFFFFF  }
0xcb: {  	_ =	task.clear_ibuf [dreg:s9], $0x2FFFF;
	_ =	strace $0x9FFFFFFF  }
0xcc: {  	(tm) =	ssettm $0x7FFFFFFF  }
0xcd: {  	_ =	shalt  }
tec
execute0_lowered:
.L_overlay_start_1:
0x0: {  	(tag) =	ssettag $0x1  }
0x1: {  	s0 =	rddreg [dreg:$0x0]  }
0x2: {  	s4 =	rddreg [dreg:$0x1]  }
0x3: {  	s7 =	rddreg [dreg:$0x2]  }
0x4: {  	s1 =	rddreg [dreg:$0x3]  }
0x5: {  	s2 =	rddreg [dreg:$0x4]  }
0x6: {  	s3 =	simm.s32 $0x0;
	s5 =	srdreg.scid;
	s17 =	stileid.u32  }
0x7: {  	s28 =	simm.s32 $0x1D320;
	s29 =	simm.s32 $0x1;
	s10 =	smul.u32 $0x187, s17  }
0x8: {  	[smem:$0x7FF] =	sst s3;
	s8 =	sadd.s32 $0x61C800, s0;
	s12 =	smul.u32 $0x61C00, s17  }
0x9: {  	s9 =	sand.u32 $0x1, s5;
	s5 =	sadd.s32 $0x2000, s0;
	s15 =	smul.u32 $0x61C0, s17  }
0xa: {  	s11 =	sshll.u32 s17, $0x5;
	s25 =	smul.u32 $0x64000, s17;
	_ =	strace $0x8000004A  }
0xb: {  	s30 =	ssub.s32 $0x2, s9;
	s14 =	smin.u32 s11, $0x1D4;
	p0 =	seq.s32 s9, $0x1  }
0xc: {  	s6 =	sshrl.u32 s30, $0x1;
	s13 =	smax.u32 s10, $0x16E3;
	s16 =	sadd.s32 $0x20, s14  }
0xd: {  	s20 =	sadd.s32 s8, s12;
	s31 =	sadd.s32 s4, s15;
	s15 =	sadd.s32 s7, s15  }
0xe: {  	s21 =	sadd.s32 $0x1, s10;
	s24 =	sadd.s32 $0x2, s10;
	s0 =	ssub.s32 s30, s6  }
0xf: {  	s6 =	ssub.s32 $0x186A, s13;
	s9 =	ssub.s32 $0x1869, s13;
	s22 =	sshll.u32 s21, $0xA  }
0x10: {  	s12 =	sshll.u32 s21, $0x6;
	s10 =	sshll.u32 s24, $0xA;
	s18 =	ssub.s32 s16, s11  }
0x11: {  	s30 =	sshrl.u32 s25, $0x2;
	[dreg:$0x7] =	wrdreg s31;
	s14 =	sadd.s32 $0x100, s31  }
0x12: {  	[dreg:$0x6] =	wrdreg s20;
	s21 =	sadd.s32 $0x1000, s20;
	s31 =	smul.u32 $0x19000, s17  }
0x13: {  	[dreg:$0x8] =	wrdreg s15;
	p1 =	sge.u32 s11, s16;
	s0 =	smax.u32 s0, $0x1  }
0x14: {  	s25 =	simm.s32 $0x5;
	s23 =	sadd.s32 s4, s12;
	[dreg:$0x9] =	wrdreg s0  }
0x15: {  	s13 =	simm.s32 $0x3;
	s26 =	sadd.s32 s7, s12;
	[dreg:$0xb] =	wrdreg s23  }
0x16: {  	s16 =	simm.s32 $0x0;
	s19 =	sadd.s32 s30, s2;
	[dreg:$0xe] =	wrdreg s26  }
.Ltmp0:
0x17: {  	s0 =	sadd.s32 s8, s22;
	[dreg:$0x10] =	wrdreg s31;
	(pc) =	sbr.rel .LBB2_1-.Ltmp0, $4  }
0x18: {  	s8 =	sadd.s32 s8, s10;
	[dreg:$0xa] =	wrdreg s0;
	s0 =	sshll.u32 s24, $0x6  }
0x19: {  	s23 =	sadd.s32 $0x100, s15;
	[dreg:$0xc] =	wrdreg s8;
	s4 =	sadd.s32 s4, s0  }
0x1a: {  	s15 =	simm.s32 $0x4;
	s0 =	sadd.s32 s7, s0;
	[dreg:$0xd] =	wrdreg s4  }
0x1b: {  	v0 =	vimm.f32 $0.0e+00;
	s24 =	simm.s32 $0x186A0;
	[dreg:$0xf] =	wrdreg s0;
	s4 =	simm.s32 $0x2  }
.LBB2_23:
0x1c: {  	[sflag:s25] =	ssyncadd.s32 $0xFFFFF380  }
.LBB2_24:
0x1d: {  	s16 =	sadd.s32 $0x1, s16;
	s0 =	rddreg [dreg:$0x9]  }
0x1e: {  	p2 =	sne.s32 s16, s0  }
.Ltmp1:
0x1f: {  	_ = 	snop;
	(pc) =	sbr.rel @!p2 .LBB2_25-.Ltmp1, $1  }
0x20: {  	_ =	sdelay $0x3  }
.LBB2_1:
.Ltmp2:
0x21: {  	(pc) =	sbr.rel @!p0 .LBB2_2-.Ltmp2, $2  }
0x22: {  	_ =	sdelay $0x2  }
0x23: {  	s0 =	simm.s32 $0x40;
	s7 =	simm.s32 $0x0  }
.LBB2_13:
0x24: {  	p2 =	seq.s32 s0, $0x31C0;
	[tilespmem:s7+$0x186A0] =	vst v0;
	s7 =	smov.u32 s0;
	s0 =	sadd.s32 $0x40, s0  }
.Ltmp3:
0x25: {  	(pc) =	sbr.rel @!p2 .LBB2_13-.Ltmp3, $2  }
0x26: {  	_ =	sdelay $0x2  }
0x27: {  	s7 =	sshra.s32 s7, $0x2  }
.Ltmp4:
0x28: {  	(pc) =	sbr.rel @p1 .LBB2_18-.Ltmp4, $2  }
0x29: {  	_ =	sdelay $0x2  }
0x2a: {  	[tilespmem:s7+$0x186A0] =	vst v0  }
0x2b: {  	p2 =	sne.s32 s18, $0x1  }
.Ltmp5:
0x2c: {  	_ = 	snop;
	(pc) =	sbr.rel @!p2 .LBB2_17-.Ltmp5, $4  }
0x2d: {  	_ = 	snop  }
0x2e: {  	[spmem:s19] =	stream.linear.scatter [tilespmem:s24], [sflag:$0x5], $0xC80, $0x38;
	[tilespmem:$0x1D720] =	vst v63  }
0x2f: {  	_ =	swait.ge [sflag:s25], $0xC80  }
0x30: {  	s0 =	sadd.s32 $0xFFFFFFFF, s18;
	s7 =	smov.u32 s19;
	[sflag:s25] =	ssyncset.done $0x0  }
.LBB2_16:
0x31: {  	p2 =	sne.s32 s0, $0x1;
	[sflag:s25] =	ssyncadd.s32 $0xFFFFF380;
	s7 =	sadd.s32 $0xC80, s7  }
.Ltmp6:
0x32: {  	s0 =	sadd.s32 $0xFFFFFFFF, s0;
	(pc) =	sbr.rel @p2 .LBB2_16-.Ltmp6, $4  }
0x33: {  	_ = 	snop  }
0x34: {  	[spmem:s7] =	stream.linear.scatter [tilespmem:s24], [sflag:$0x5], $0xC80, $0x38;
	[tilespmem:$0x1D720] =	vst v63  }
0x35: {  	_ =	swait.ge [sflag:s25], $0xC80  }
0x36: {  	[sflag:s25] =	ssyncset.done $0x0  }
.LBB2_17:
0x37: {  	[sflag:s25] =	ssyncadd.s32 $0xFFFFF380  }
.LBB2_18:
0x38: {  	[bflag:$0x0] =	sbarrier.arrive $0xFFFF  }
0x39: {  	s7 =	simm.s32 $0x19320;
	s0 =	rddreg [dreg:$0x6]  }
0x3a: {  	[tilespmem:s7], [sflag:$0x1] =	stream.linear.gather [hbm4b:s0+s3], $0x2000, $0x38;
	[tilespmem:$0x1D720] =	vst v63  }
0x3b: {  	s12 =	rddreg [dreg:$0x8]  }
0x3c: {  	[tilespmem:s28], [sflag:$0x1] =	stream.linear.gather [hbm4b:s12+s3], $0x200, $0x38;
	[tilespmem:$0x1D720] =	vst v63  }
0x3d: {  	_ =	swait.ge [sflag:s29], $0x2000  }
0x3e: {  	[sflag:s29] =	ssyncset.done $0x0  }
0x3f: {  	[sflag:s29] =	ssyncadd.s32 $0xFFFFE000  }
0x40: {  	_ =	swait.ge [sflag:s29], $0x200  }
0x41: {  	[sflag:s29] =	ssyncset.done $0x0  }
0x42: {  	s8 =	simm.s32 $0x1B320;
	s17 =	rddreg [dreg:$0xa];
	[sflag:s29] =	ssyncadd.s32 $0xFFFFFE00  }
0x43: {  	[tilespmem:s8], [sflag:$0x2] =	stream.linear.gather [hbm4b:s17+s3], $0x2000, $0x38;
	[tilespmem:$0x1D720] =	vst v63  }
0x44: {  	s10 =	simm.s32 $0x1D520;
	s20 =	rddreg [dreg:$0xe]  }
0x45: {  	[tilespmem:s10], [sflag:$0x2] =	stream.linear.gather [hbm4b:s20+s3], $0x200, $0x38;
	[tilespmem:$0x1D720] =	vst v63  }
0x46: {  	s11 =	simm.s32 $0x200  }
0x47: {  	[spmem:s2] =	stream.indirect.scatter.add.f32 [tilespmem:s7], [sflag:$0x3], $0x10, s28, s11, $0xb8;
	[tilespmem:$0x1D720] =	vst v63  }
0x48: {  	_ =	swait.ge [sflag:s4], $0x2000  }
0x49: {  	[sflag:s4] =	ssyncset.done $0x0  }
0x4a: {  	[sflag:s4] =	ssyncadd.s32 $0xFFFFE000  }
0x4b: {  	_ =	swait.ge [sflag:s4], $0x200  }
0x4c: {  	[sflag:s4] =	ssyncset.done $0x0  }
0x4d: {  	[sflag:s4] =	ssyncadd.s32 $0xFFFFFE00  }
0x4e: {  	_ =	swait.ge [sflag:s13], $0x2000  }
0x4f: {  	[sflag:s13] =	ssyncset.done $0x0  }
0x50: {  	s22 =	rddreg [dreg:$0xc];
	[sflag:s13] =	ssyncadd.s32 $0xFFFFE000  }
0x51: {  	[tilespmem:s7], [sflag:$0x1] =	stream.linear.gather [hbm4b:s22+s3], $0x2000, $0x38;
	[tilespmem:$0x1D720] =	vst v63  }
0x52: {  	p3 =	sle.u32 s6, $0x2;
	s26 =	rddreg [dreg:$0xf]  }
0x53: {  	[tilespmem:s28], [sflag:$0x1] =	stream.linear.gather [hbm4b:s26+s3], $0x200, $0x38;
	[tilespmem:$0x1D720] =	vst v63  }
0x54: {  	s0 =	simm.s32 @!p3 $0x1  }
0x55: {  	[spmem:s2] =	stream.indirect.scatter.add.f32 [tilespmem:s8], [sflag:$0x4], $0x10, s10, s11, $0xb8;
	[tilespmem:$0x1D720] =	vst v63  }
0x56: {  	_ =	swait.ge @!p3 [sflag:s0], $0x2000  }
0x57: {  	[sflag:s0] =	ssyncset.done @!p3 $0x0  }
0x58: {  	[sflag:s0] =	ssyncadd.s32 @!p3 $0xFFFFE000  }
0x59: {  	p2 =	sle.u32 @!p3 s6, $0x3;
	_ =	swait.ge @!p3 [sflag:s0], $0x200  }
0x5a: {  	p4 =	por p2, p3;
	[sflag:s0] =	ssyncset.done @!p3 $0x0  }
0x5b: {  	[sflag:s0] =	ssyncadd.s32 @!p3 $0xFFFFFE00;
	s0 =	simm.s32 @!p4 $0x4  }
0x5c: {  	_ =	swait.ge @!p4 [sflag:s0], $0x2000  }
0x5d: {  	p2 =	sle.u32 s9, $0x2;
	s7 =	simm.s32 @!p4 $0x1B320;
	[sflag:s0] =	ssyncset.done @!p4 $0x0  }
0x5e: {  	s10 =	simm.s32 @!p4 $0x0;
	[sflag:s0] =	ssyncadd.s32 @!p4 $0xFFFFE000;
	s0 =	sadd.s32 @!p4 $0xFFFFFC00, s21  }
0x5f: {  	[tilespmem:s7], [sflag:$0x2] =	stream.linear.gather @!p4 [hbm4b:s0+s10], $0x2000, $0x38;
	[tilespmem:$0x1D720] =	vst v63  }
0x60: {  	s8 =	simm.s32 @!p3 $0x19320;
	s0 =	sadd.s32 @!p4 $0xFFFFFFC0, s23;
	s7 =	simm.s32 @!p4 $0x1D520  }
0x61: {  	[tilespmem:s7], [sflag:$0x2] =	stream.linear.gather @!p4 [hbm4b:s0+s10], $0x200, $0x38;
	[tilespmem:$0x1D720] =	vst v63  }
0x62: {  	s0 =	simm.s32 @!p3 $0x200;
	s7 =	simm.s32 @!p3 $0x1D320;
	s10 =	simm.s32 @!p2 $0x2  }
0x63: {  	[spmem:s2] =	stream.indirect.scatter.add.f32 @!p3 [tilespmem:s8], [sflag:$0x3], $0x10, s7, s0, $0xb8;
	[tilespmem:$0x1D720] =	vst v63  }
0x64: {  	_ =	swait.ge @!p2 [sflag:s10], $0x2000  }
0x65: {  	[sflag:s10] =	ssyncset.done @!p2 $0x0  }
0x66: {  	s30 =	simm.s32 @!p2 $0x200;
	[sflag:s10] =	ssyncadd.s32 @!p2 $0xFFFFE000  }
0x67: {  	s31 =	simm.s32 @!p2 $0x1B320;
	p3 =	sle.u32 @!p2 s6, $0x4;
	_ =	swait.ge @!p2 [sflag:s10], $0x200  }
0x68: {  	s12 =	simm.s32 $0x4;
	p5 =	por p3, p2;
	[sflag:s10] =	ssyncset.done @!p2 $0x0  }
0x69: {  	s17 =	sadd.s32 $0x80, s23;
	s0 =	simm.s32 @!p5 $0x3;
	[sflag:s10] =	ssyncadd.s32 @!p2 $0xFFFFFE00  }
0x6a: {  	s20 =	smov.u32 s23;
	s11 =	simm.s32 $0x8;
	_ =	swait.ge @!p5 [sflag:s0], $0x2000  }
0x6b: {  	s7 =	simm.s32 @!p2 $0x1D520;
	p3 =	sle.u32 s6, $0x4;
	[sflag:s0] =	ssyncset.done @!p5 $0x0  }
0x6c: {  	s8 =	simm.s32 @!p5 $0x19320;
	s22 =	simm.s32 @!p5 $0x0;
	[sflag:s0] =	ssyncadd.s32 @!p5 $0xFFFFE000  }
0x6d: {  	[tilespmem:s8], [sflag:$0x1] =	stream.linear.gather @!p5 [hbm4b:s21+s22], $0x2000, $0x38;
	[tilespmem:$0x1D720] =	vst v63  }
0x6e: {  	s10 =	simm.s32 $0x6;
	s0 =	simm.s32 @!p5 $0x1D320;
	s8 =	sadd.s32 $0x800, s21  }
.LBB2_19:
0x6f: {  	[tilespmem:s0], [sflag:$0x1] =	stream.linear.gather @!p5 [hbm4b:s20+s22], $0x200, $0x38;
	[tilespmem:$0x1D720] =	vst v63  }
0x70: {  	s0 =	simm.s32 @!p3 $0x1;
	s22 =	smov.u32 s11;
	s11 =	sadd.s32 $0x2, s11  }
0x71: {  	[spmem:s2] =	stream.indirect.scatter.add.f32 @!p2 [tilespmem:s31], [sflag:$0x4], $0x10, s7, s30, $0xb8;
	[tilespmem:$0x1D720] =	vst v63  }
0x72: {  	s20 =	smov.u32 s17;
	p4 =	sne.s32 s11, $0x18A;
	_ =	swait.ge @!p3 [sflag:s0], $0x2000  }
0x73: {  	[sflag:s0] =	ssyncset.done @!p3 $0x0  }
0x74: {  	s7 =	sadd.s32 @!p3 $0xFFFFFFFF, s10;
	[sflag:s0] =	ssyncadd.s32 @!p3 $0xFFFFE000  }
0x75: {  	p2 =	sle.u32 @!p3 s6, s7;
	_ =	swait.ge @!p3 [sflag:s0], $0x200  }
0x76: {  	p5 =	por p2, p3;
	[sflag:s0] =	ssyncset.done @!p3 $0x0  }
0x77: {  	[sflag:s0] =	ssyncadd.s32 @!p3 $0xFFFFFE00;
	s0 =	simm.s32 @!p5 $0x4  }
0x78: {  	_ =	swait.ge @!p5 [sflag:s0], $0x2000  }
0x79: {  	s26 =	simm.s32 @!p3 $0x19320;
	s7 =	simm.s32 @!p5 $0x1B320;
	[sflag:s0] =	ssyncset.done @!p5 $0x0  }
0x7a: {  	s30 =	simm.s32 @!p5 $0x0;
	[sflag:s0] =	ssyncadd.s32 @!p5 $0xFFFFE000;
	s0 =	sadd.s32 @!p5 $0xFFFFFC00, s8  }
0x7b: {  	[tilespmem:s7], [sflag:$0x2] =	stream.linear.gather @!p5 [hbm4b:s0+s30], $0x2000, $0x38;
	[tilespmem:$0x1D720] =	vst v63  }
0x7c: {  	p2 =	sge.u32 s12, s9;
	s0 =	sadd.s32 @!p5 $0xFFFFFFC0, s17;
	s7 =	simm.s32 @!p5 $0x1D520  }
0x7d: {  	[tilespmem:s7], [sflag:$0x2] =	stream.linear.gather @!p5 [hbm4b:s0+s30], $0x200, $0x38;
	[tilespmem:$0x1D720] =	vst v63  }
0x7e: {  	s12 =	simm.s32 @!p2 $0x2;
	s0 =	simm.s32 @!p3 $0x200;
	s7 =	simm.s32 @!p3 $0x1D320  }
0x7f: {  	[spmem:s2] =	stream.indirect.scatter.add.f32 @!p3 [tilespmem:s26], [sflag:$0x3], $0x10, s7, s0, $0xb8;
	[tilespmem:$0x1D720] =	vst v63  }
0x80: {  	s30 =	simm.s32 @!p2 $0x200;
	p3 =	sle.u32 @!p2 s6, s10;
	_ =	swait.ge @!p2 [sflag:s12], $0x2000  }
0x81: {  	s31 =	simm.s32 @!p2 $0x1B320;
	s7 =	simm.s32 @!p2 $0x1D520;
	[sflag:s12] =	ssyncset.done @!p2 $0x0  }
0x82: {  	s10 =	smov.u32 s22;
	[sflag:s12] =	ssyncadd.s32 @!p2 $0xFFFFE000  }
0x83: {  	_ =	swait.ge @!p2 [sflag:s12], $0x200  }
0x84: {  	p5 =	por p3, p2;
	[sflag:s12] =	ssyncset.done @!p2 $0x0  }
0x85: {  	s22 =	simm.s32 @!p5 $0x3;
	[sflag:s12] =	ssyncadd.s32 @!p2 $0xFFFFFE00  }
.Ltmp7:
0x86: {  	_ =	swait.ge @!p5 [sflag:s22], $0x2000;
	(pc) =	sbr.rel @p4 .LBB2_19-.Ltmp7, $4  }
0x87: {  	s26 =	simm.s32 @!p5 $0x19320;
	s0 =	simm.s32 @!p5 $0x1D320;
	[sflag:s22] =	ssyncset.done @!p5 $0x0  }
0x88: {  	s12 =	sadd.s32 $0xFFFFFFFE, s10;
	[sflag:s22] =	ssyncadd.s32 @!p5 $0xFFFFE000;
	s22 =	simm.s32 @!p5 $0x0  }
0x89: {  	[tilespmem:s26], [sflag:$0x1] =	stream.linear.gather @!p5 [hbm4b:s8+s22], $0x2000, $0x38;
	[tilespmem:$0x1D720] =	vst v63  }
0x8a: {  	s17 =	sadd.s32 $0x80, s17;
	p3 =	sle.u32 s6, s12;
	s8 =	sadd.s32 $0x800, s8  }
0x8b: {  	[tilespmem:s0], [sflag:$0x1] =	stream.linear.gather @!p5 [hbm4b:s20+s22], $0x200, $0x38;
	[tilespmem:$0x1D720] =	vst v63  }
0x8c: {  	s0 =	simm.s32 @!p3 $0x1  }
0x8d: {  	[spmem:s2] =	stream.indirect.scatter.add.f32 @!p2 [tilespmem:s31], [sflag:$0x4], $0x10, s7, s30, $0xb8;
	[tilespmem:$0x1D720] =	vst v63  }
0x8e: {  	_ =	swait.ge @!p3 [sflag:s0], $0x2000  }
0x8f: {  	[sflag:s0] =	ssyncset.done @!p3 $0x0  }
0x90: {  	s7 =	sadd.s32 @!p3 $0xFFFFFFFF, s10;
	[sflag:s0] =	ssyncadd.s32 @!p3 $0xFFFFE000  }
0x91: {  	p2 =	sle.u32 @!p3 s6, s7;
	_ =	swait.ge @!p3 [sflag:s0], $0x200  }
0x92: {  	p4 =	por p2, p3;
	[sflag:s0] =	ssyncset.done @!p3 $0x0  }
0x93: {  	[sflag:s0] =	ssyncadd.s32 @!p3 $0xFFFFFE00;
	s0 =	simm.s32 @!p4 $0x4  }
0x94: {  	_ =	swait.ge @!p4 [sflag:s0], $0x2000  }
0x95: {  	s11 =	simm.s32 @!p3 $0x19320;
	s7 =	simm.s32 @!p4 $0x1B320;
	[sflag:s0] =	ssyncset.done @!p4 $0x0  }
0x96: {  	s20 =	simm.s32 @!p4 $0x0;
	[sflag:s0] =	ssyncadd.s32 @!p4 $0xFFFFE000;
	s0 =	sadd.s32 @!p4 $0xFFFFFC00, s8  }
0x97: {  	[tilespmem:s7], [sflag:$0x2] =	stream.linear.gather @!p4 [hbm4b:s0+s20], $0x2000, $0x38;
	[tilespmem:$0x1D720] =	vst v63  }
0x98: {  	p2 =	sge.u32 s12, s9;
	s0 =	sadd.s32 @!p4 $0xFFFFFFC0, s17;
	s7 =	simm.s32 @!p4 $0x1D520  }
0x99: {  	[tilespmem:s7], [sflag:$0x2] =	stream.linear.gather @!p4 [hbm4b:s0+s20], $0x200, $0x38;
	[tilespmem:$0x1D720] =	vst v63  }
0x9a: {  	s12 =	simm.s32 @!p2 $0x2;
	s0 =	simm.s32 @!p3 $0x200;
	s7 =	simm.s32 @!p3 $0x1D320  }
0x9b: {  	[spmem:s2] =	stream.indirect.scatter.add.f32 @!p3 [tilespmem:s11], [sflag:$0x3], $0x10, s7, s0, $0xb8;
	[tilespmem:$0x1D720] =	vst v63  }
0x9c: {  	_ =	swait.ge @!p2 [sflag:s12], $0x2000  }
0x9d: {  	[sflag:s12] =	ssyncset.done @!p2 $0x0  }
0x9e: {  	[sflag:s12] =	ssyncadd.s32 @!p2 $0xFFFFE000  }
0x9f: {  	p3 =	sle.u32 @!p2 s6, s10;
	_ =	swait.ge @!p2 [sflag:s12], $0x200  }
0xa0: {  	p3 =	por p3, p2;
	[sflag:s12] =	ssyncset.done @!p2 $0x0  }
0xa1: {  	s0 =	simm.s32 @!p3 $0x3;
	[sflag:s12] =	ssyncadd.s32 @!p2 $0xFFFFFE00  }
0xa2: {  	_ =	swait.ge @!p3 [sflag:s0], $0x2000  }
0xa3: {  	[sflag:s0] =	ssyncset.done @!p3 $0x0  }
0xa4: {  	s7 =	simm.s32 @!p3 $0x19320;
	[sflag:s0] =	ssyncadd.s32 @!p3 $0xFFFFE000;
	s0 =	simm.s32 @!p3 $0x0  }
0xa5: {  	[tilespmem:s7], [sflag:$0x1] =	stream.linear.gather @!p3 [hbm4b:s8+s0], $0x2000, $0x38;
	[tilespmem:$0x1D720] =	vst v63  }
0xa6: {  	s7 =	simm.s32 @!p3 $0x1D320  }
0xa7: {  	[tilespmem:s7], [sflag:$0x1] =	stream.linear.gather @!p3 [hbm4b:s17+s0], $0x200, $0x38;
	[tilespmem:$0x1D720] =	vst v63  }
0xa8: {  	s8 =	simm.s32 @!p2 $0x1B320;
	s0 =	simm.s32 @!p2 $0x200;
	s7 =	simm.s32 @!p2 $0x1D520  }
0xa9: {  	[spmem:s2] =	stream.indirect.scatter.add.f32 @!p2 [tilespmem:s8], [sflag:$0x4], $0x10, s7, s0, $0xb8;
	[tilespmem:$0x1D720] =	vst v63  }
0xaa: {  	_ =	swait.ge [sflag:s13], $0x2000  }
0xab: {  	[sflag:s13] =	ssyncset.done $0x0  }
0xac: {  	[sflag:s13] =	ssyncadd.s32 $0xFFFFE000  }
.Ltmp8:
0xad: {  	_ =	swait.ge [sflag:s15], $0x2000;
	(pc) =	sbr.rel @p1 .LBB2_24-.Ltmp8, $3  }
0xae: {  	[sflag:s15] =	ssyncset.done $0x0  }
0xaf: {  	[sflag:s15] =	ssyncadd.s32 $0xFFFFE000  }
0xb0: {  	[bflag:$0x0] =	sbarrier.arrive $0xFFFF;
	_ =	sdelay $0x1  }
0xb1: {  	[tilespmem:s24], [sflag:$0x5] =	stream.linear.gather [spmem:s19], $0xC80, $0x38;
	[tilespmem:$0x1D720] =	vst v63  }
0xb2: {  	_ =	swait.ge [sflag:s25], $0xC80  }
0xb3: {  	p2 =	sne.s32 s18, $0x1;
	s8 =	rddreg [dreg:$0x10]  }
.Ltmp9:
0xb4: {  	[sflag:s25] =	ssyncset.done $0x0;
	s0 =	sshrl.u32 s8, $0x3;
	(pc) =	sbr.rel @!p2 .LBB2_23-.Ltmp9, $4  }
0xb5: {  	[sflag:s25] =	ssyncadd.s32 $0xFFFFF380;
	s0 =	sadd.s32 s5, s0  }
0xb6: {  	[hbm4b:s0+s3] =	stream.linear.scatter [tilespmem:s24], [sflag:$0x5], $0xC80, $0x38;
	[tilespmem:$0x1D720] =	vst v63  }
0xb7: {  	_ =	swait.ge [sflag:s25], $0xC80  }
0xb8: {  	s7 =	sadd.s32 $0xFFFFFFFF, s18;
	s10 =	smov.u32 s19;
	[sflag:s25] =	ssyncset.done $0x0  }
.LBB2_22:
0xb9: {  	[sflag:s25] =	ssyncadd.s32 $0xFFFFF380;
	s8 =	sadd.s32 $0xC80, s8;
	s10 =	sadd.s32 $0xC80, s10  }
0xba: {  	[tilespmem:s24], [sflag:$0x5] =	stream.linear.gather [spmem:s10], $0xC80, $0x38;
	[tilespmem:$0x1D720] =	vst v63  }
0xbb: {  	p2 =	sne.s32 s7, $0x1;
	s7 =	sadd.s32 $0xFFFFFFFF, s7;
	_ =	swait.ge [sflag:s25], $0xC80  }
.Ltmp10:
0xbc: {  	s0 =	sshrl.u32 s8, $0x3;
	[sflag:s25] =	ssyncset.done $0x0;
	(pc) =	sbr.rel @p2 .LBB2_22-.Ltmp10, $4  }
0xbd: {  	s0 =	sadd.s32 s5, s0;
	[sflag:s25] =	ssyncadd.s32 $0xFFFFF380  }
0xbe: {  	[hbm4b:s0+s3] =	stream.linear.scatter [tilespmem:s24], [sflag:$0x5], $0xC80, $0x38;
	[tilespmem:$0x1D720] =	vst v63  }
0xbf: {  	_ =	swait.ge [sflag:s25], $0xC80  }
0xc0: {  	[sflag:s25] =	ssyncset.done $0x0  }
.Ltmp11:
0xc1: {  	_ = 	snop;
	(pc) =	sbr.rel .LBB2_23-.Ltmp11, $1  }
0xc2: {  	_ =	sdelay $0x3  }
.LBB2_2:
0xc3: {  	p2 =	seq.s32 s0, $0x31C0;
	[tilespmem:s7+$0x186A0] =	vst v0;
	s7 =	smov.u32 s0;
	s0 =	sadd.s32 $0x40, s0  }
.Ltmp12:
0xc4: {  	(pc) =	sbr.rel @!p2 .LBB2_2-.Ltmp12, $2  }
0xc5: {  	_ =	sdelay $0x2  }
0xc6: {  	s7 =	sshra.s32 s7, $0x2  }
.Ltmp13:
0xc7: {  	(pc) =	sbr.rel @p1 .LBB2_7-.Ltmp13, $2  }
0xc8: {  	_ =	sdelay $0x2  }
0xc9: {  	[tilespmem:s7+$0x186A0] =	vst v0  }
0xca: {  	p2 =	sne.s32 s18, $0x1  }
.Ltmp14:
0xcb: {  	_ = 	snop;
	(pc) =	sbr.rel @!p2 .LBB2_6-.Ltmp14, $4  }
0xcc: {  	_ = 	snop  }
0xcd: {  	[spmem:s19] =	stream.linear.scatter [tilespmem:s24], [sflag:$0x5], $0xC80, $0x38;
	[tilespmem:$0x1D720] =	vst v63  }
0xce: {  	_ =	swait.ge [sflag:s25], $0xC80  }
0xcf: {  	s0 =	sadd.s32 $0xFFFFFFFF, s18;
	s7 =	smov.u32 s19;
	[sflag:s25] =	ssyncset.done $0x0  }
.LBB2_5:
0xd0: {  	p2 =	sne.s32 s0, $0x1;
	[sflag:s25] =	ssyncadd.s32 $0xFFFFF380;
	s7 =	sadd.s32 $0xC80, s7  }
.Ltmp15:
0xd1: {  	s0 =	sadd.s32 $0xFFFFFFFF, s0;
	(pc) =	sbr.rel @p2 .LBB2_5-.Ltmp15, $4  }
0xd2: {  	_ = 	snop  }
0xd3: {  	[spmem:s7] =	stream.linear.scatter [tilespmem:s24], [sflag:$0x5], $0xC80, $0x38;
	[tilespmem:$0x1D720] =	vst v63  }
0xd4: {  	_ =	swait.ge [sflag:s25], $0xC80  }
0xd5: {  	[sflag:s25] =	ssyncset.done $0x0  }
.LBB2_6:
0xd6: {  	[sflag:s25] =	ssyncadd.s32 $0xFFFFF380  }
.LBB2_7:
0xd7: {  	[bflag:$0x0] =	sbarrier.arrive $0xFFFF  }
0xd8: {  	s7 =	simm.s32 $0x19320;
	s0 =	rddreg [dreg:$0x6]  }
0xd9: {  	[tilespmem:s7], [sflag:$0x1] =	stream.linear.gather [hbm4b:s0+s3], $0x2000, $0x38;
	[tilespmem:$0x1D720] =	vst v63  }
0xda: {  	s12 =	rddreg [dreg:$0x7]  }
0xdb: {  	[tilespmem:s28], [sflag:$0x1] =	stream.linear.gather [hbm4b:s12+s3], $0x200, $0x38;
	[tilespmem:$0x1D720] =	vst v63  }
0xdc: {  	_ =	swait.ge [sflag:s29], $0x2000  }
0xdd: {  	[sflag:s29] =	ssyncset.done $0x0  }
0xde: {  	[sflag:s29] =	ssyncadd.s32 $0xFFFFE000  }
0xdf: {  	_ =	swait.ge [sflag:s29], $0x200  }
0xe0: {  	[sflag:s29] =	ssyncset.done $0x0  }
0xe1: {  	s8 =	simm.s32 $0x1B320;
	s17 =	rddreg [dreg:$0xa];
	[sflag:s29] =	ssyncadd.s32 $0xFFFFFE00  }
0xe2: {  	[tilespmem:s8], [sflag:$0x2] =	stream.linear.gather [hbm4b:s17+s3], $0x2000, $0x38;
	[tilespmem:$0x1D720] =	vst v63  }
0xe3: {  	s10 =	simm.s32 $0x1D520;
	s20 =	rddreg [dreg:$0xb]  }
0xe4: {  	[tilespmem:s10], [sflag:$0x2] =	stream.linear.gather [hbm4b:s20+s3], $0x200, $0x38;
	[tilespmem:$0x1D720] =	vst v63  }
0xe5: {  	s11 =	simm.s32 $0x200  }
0xe6: {  	[spmem:s2] =	stream.indirect.scatter.add.f32 [tilespmem:s7], [sflag:$0x3], $0x10, s28, s11, $0xb8;
	[tilespmem:$0x1D720] =	vst v63  }
0xe7: {  	_ =	swait.ge [sflag:s4], $0x2000  }
0xe8: {  	[sflag:s4] =	ssyncset.done $0x0  }
0xe9: {  	[sflag:s4] =	ssyncadd.s32 $0xFFFFE000  }
0xea: {  	_ =	swait.ge [sflag:s4], $0x200  }
0xeb: {  	[sflag:s4] =	ssyncset.done $0x0  }
0xec: {  	[sflag:s4] =	ssyncadd.s32 $0xFFFFFE00  }
0xed: {  	_ =	swait.ge [sflag:s13], $0x2000  }
0xee: {  	[sflag:s13] =	ssyncset.done $0x0  }
0xef: {  	s22 =	rddreg [dreg:$0xc];
	[sflag:s13] =	ssyncadd.s32 $0xFFFFE000  }
0xf0: {  	[tilespmem:s7], [sflag:$0x1] =	stream.linear.gather [hbm4b:s22+s3], $0x2000, $0x38;
	[tilespmem:$0x1D720] =	vst v63  }
0xf1: {  	p3 =	sle.u32 s6, $0x2;
	s26 =	rddreg [dreg:$0xd]  }
0xf2: {  	[tilespmem:s28], [sflag:$0x1] =	stream.linear.gather [hbm4b:s26+s3], $0x200, $0x38;
	[tilespmem:$0x1D720] =	vst v63  }
0xf3: {  	s0 =	simm.s32 @!p3 $0x1  }
0xf4: {  	[spmem:s2] =	stream.indirect.scatter.add.f32 [tilespmem:s8], [sflag:$0x4], $0x10, s10, s11, $0xb8;
	[tilespmem:$0x1D720] =	vst v63  }
0xf5: {  	_ =	swait.ge @!p3 [sflag:s0], $0x2000  }
0xf6: {  	[sflag:s0] =	ssyncset.done @!p3 $0x0  }
0xf7: {  	[sflag:s0] =	ssyncadd.s32 @!p3 $0xFFFFE000  }
0xf8: {  	p2 =	sle.u32 @!p3 s6, $0x3;
	_ =	swait.ge @!p3 [sflag:s0], $0x200  }
0xf9: {  	p4 =	por p2, p3;
	[sflag:s0] =	ssyncset.done @!p3 $0x0  }
0xfa: {  	[sflag:s0] =	ssyncadd.s32 @!p3 $0xFFFFFE00;
	s0 =	simm.s32 @!p4 $0x4  }
0xfb: {  	_ =	swait.ge @!p4 [sflag:s0], $0x2000  }
0xfc: {  	p2 =	sle.u32 s9, $0x2;
	s7 =	simm.s32 @!p4 $0x1B320;
	[sflag:s0] =	ssyncset.done @!p4 $0x0  }
0xfd: {  	s10 =	simm.s32 @!p4 $0x0;
	[sflag:s0] =	ssyncadd.s32 @!p4 $0xFFFFE000;
	s0 =	sadd.s32 @!p4 $0xFFFFFC00, s21  }
0xfe: {  	[tilespmem:s7], [sflag:$0x2] =	stream.linear.gather @!p4 [hbm4b:s0+s10], $0x2000, $0x38;
	[tilespmem:$0x1D720] =	vst v63  }
0xff: {  	s8 =	simm.s32 @!p3 $0x19320;
	s0 =	sadd.s32 @!p4 $0xFFFFFFC0, s14;
	s7 =	simm.s32 @!p4 $0x1D520  }
0x100: {  	[tilespmem:s7], [sflag:$0x2] =	stream.linear.gather @!p4 [hbm4b:s0+s10], $0x200, $0x38;
	[tilespmem:$0x1D720] =	vst v63  }
0x101: {  	s0 =	simm.s32 @!p3 $0x200;
	s7 =	simm.s32 @!p3 $0x1D320;
	s10 =	simm.s32 @!p2 $0x2  }
0x102: {  	[spmem:s2] =	stream.indirect.scatter.add.f32 @!p3 [tilespmem:s8], [sflag:$0x3], $0x10, s7, s0, $0xb8;
	[tilespmem:$0x1D720] =	vst v63  }
0x103: {  	_ =	swait.ge @!p2 [sflag:s10], $0x2000  }
0x104: {  	[sflag:s10] =	ssyncset.done @!p2 $0x0  }
0x105: {  	s30 =	simm.s32 @!p2 $0x200;
	[sflag:s10] =	ssyncadd.s32 @!p2 $0xFFFFE000  }
0x106: {  	s31 =	simm.s32 @!p2 $0x1B320;
	p3 =	sle.u32 @!p2 s6, $0x4;
	_ =	swait.ge @!p2 [sflag:s10], $0x200  }
0x107: {  	s12 =	simm.s32 $0x4;
	p5 =	por p3, p2;
	[sflag:s10] =	ssyncset.done @!p2 $0x0  }
0x108: {  	s17 =	sadd.s32 $0x80, s14;
	s0 =	simm.s32 @!p5 $0x3;
	[sflag:s10] =	ssyncadd.s32 @!p2 $0xFFFFFE00  }
0x109: {  	s20 =	smov.u32 s14;
	s11 =	simm.s32 $0x8;
	_ =	swait.ge @!p5 [sflag:s0], $0x2000  }
0x10a: {  	s7 =	simm.s32 @!p2 $0x1D520;
	p3 =	sle.u32 s6, $0x4;
	[sflag:s0] =	ssyncset.done @!p5 $0x0  }
0x10b: {  	s8 =	simm.s32 @!p5 $0x19320;
	s22 =	simm.s32 @!p5 $0x0;
	[sflag:s0] =	ssyncadd.s32 @!p5 $0xFFFFE000  }
0x10c: {  	[tilespmem:s8], [sflag:$0x1] =	stream.linear.gather @!p5 [hbm4b:s21+s22], $0x2000, $0x38;
	[tilespmem:$0x1D720] =	vst v63  }
0x10d: {  	s10 =	simm.s32 $0x6;
	s0 =	simm.s32 @!p5 $0x1D320;
	s8 =	sadd.s32 $0x800, s21  }
.LBB2_8:
0x10e: {  	[tilespmem:s0], [sflag:$0x1] =	stream.linear.gather @!p5 [hbm4b:s20+s22], $0x200, $0x38;
	[tilespmem:$0x1D720] =	vst v63  }
0x10f: {  	s0 =	simm.s32 @!p3 $0x1;
	s22 =	smov.u32 s11;
	s11 =	sadd.s32 $0x2, s11  }
0x110: {  	[spmem:s2] =	stream.indirect.scatter.add.f32 @!p2 [tilespmem:s31], [sflag:$0x4], $0x10, s7, s30, $0xb8;
	[tilespmem:$0x1D720] =	vst v63  }
0x111: {  	s20 =	smov.u32 s17;
	p4 =	sne.s32 s11, $0x18A;
	_ =	swait.ge @!p3 [sflag:s0], $0x2000  }
0x112: {  	[sflag:s0] =	ssyncset.done @!p3 $0x0  }
0x113: {  	s7 =	sadd.s32 @!p3 $0xFFFFFFFF, s10;
	[sflag:s0] =	ssyncadd.s32 @!p3 $0xFFFFE000  }
0x114: {  	p2 =	sle.u32 @!p3 s6, s7;
	_ =	swait.ge @!p3 [sflag:s0], $0x200  }
0x115: {  	p5 =	por p2, p3;
	[sflag:s0] =	ssyncset.done @!p3 $0x0  }
0x116: {  	[sflag:s0] =	ssyncadd.s32 @!p3 $0xFFFFFE00;
	s0 =	simm.s32 @!p5 $0x4  }
0x117: {  	_ =	swait.ge @!p5 [sflag:s0], $0x2000  }
0x118: {  	s30 =	simm.s32 @!p3 $0x19320;
	s7 =	simm.s32 @!p5 $0x1B320;
	[sflag:s0] =	ssyncset.done @!p5 $0x0  }
0x119: {  	s31 =	simm.s32 @!p5 $0x0;
	[sflag:s0] =	ssyncadd.s32 @!p5 $0xFFFFE000;
	s0 =	sadd.s32 @!p5 $0xFFFFFC00, s8  }
0x11a: {  	[tilespmem:s7], [sflag:$0x2] =	stream.linear.gather @!p5 [hbm4b:s0+s31], $0x2000, $0x38;
	[tilespmem:$0x1D720] =	vst v63  }
0x11b: {  	p2 =	sge.u32 s12, s9;
	s0 =	sadd.s32 @!p5 $0xFFFFFFC0, s17;
	s7 =	simm.s32 @!p5 $0x1D520  }
0x11c: {  	[tilespmem:s7], [sflag:$0x2] =	stream.linear.gather @!p5 [hbm4b:s0+s31], $0x200, $0x38;
	[tilespmem:$0x1D720] =	vst v63  }
0x11d: {  	s12 =	simm.s32 @!p2 $0x2;
	s0 =	simm.s32 @!p3 $0x200;
	s7 =	simm.s32 @!p3 $0x1D320  }
0x11e: {  	[spmem:s2] =	stream.indirect.scatter.add.f32 @!p3 [tilespmem:s30], [sflag:$0x3], $0x10, s7, s0, $0xb8;
	[tilespmem:$0x1D720] =	vst v63  }
0x11f: {  	p3 =	sle.u32 @!p2 s6, s10;
	s30 =	simm.s32 @!p2 $0x200;
	_ =	swait.ge @!p2 [sflag:s12], $0x2000  }
0x120: {  	s31 =	simm.s32 @!p2 $0x1B320;
	s7 =	simm.s32 @!p2 $0x1D520;
	[sflag:s12] =	ssyncset.done @!p2 $0x0  }
0x121: {  	s10 =	smov.u32 s22;
	[sflag:s12] =	ssyncadd.s32 @!p2 $0xFFFFE000  }
0x122: {  	_ =	swait.ge @!p2 [sflag:s12], $0x200  }
0x123: {  	p5 =	por p3, p2;
	[sflag:s12] =	ssyncset.done @!p2 $0x0  }
0x124: {  	s22 =	simm.s32 @!p5 $0x3;
	[sflag:s12] =	ssyncadd.s32 @!p2 $0xFFFFFE00  }
.Ltmp16:
0x125: {  	_ =	swait.ge @!p5 [sflag:s22], $0x2000;
	(pc) =	sbr.rel @p4 .LBB2_8-.Ltmp16, $4  }
0x126: {  	s26 =	simm.s32 @!p5 $0x19320;
	s0 =	simm.s32 @!p5 $0x1D320;
	[sflag:s22] =	ssyncset.done @!p5 $0x0  }
0x127: {  	s12 =	sadd.s32 $0xFFFFFFFE, s10;
	[sflag:s22] =	ssyncadd.s32 @!p5 $0xFFFFE000;
	s22 =	simm.s32 @!p5 $0x0  }
0x128: {  	[tilespmem:s26], [sflag:$0x1] =	stream.linear.gather @!p5 [hbm4b:s8+s22], $0x2000, $0x38;
	[tilespmem:$0x1D720] =	vst v63  }
0x129: {  	s17 =	sadd.s32 $0x80, s17;
	p3 =	sle.u32 s6, s12;
	s8 =	sadd.s32 $0x800, s8  }
0x12a: {  	[tilespmem:s0], [sflag:$0x1] =	stream.linear.gather @!p5 [hbm4b:s20+s22], $0x200, $0x38;
	[tilespmem:$0x1D720] =	vst v63  }
0x12b: {  	s0 =	simm.s32 @!p3 $0x1  }
0x12c: {  	[spmem:s2] =	stream.indirect.scatter.add.f32 @!p2 [tilespmem:s31], [sflag:$0x4], $0x10, s7, s30, $0xb8;
	[tilespmem:$0x1D720] =	vst v63  }
0x12d: {  	_ =	swait.ge @!p3 [sflag:s0], $0x2000  }
0x12e: {  	[sflag:s0] =	ssyncset.done @!p3 $0x0  }
0x12f: {  	s7 =	sadd.s32 @!p3 $0xFFFFFFFF, s10;
	[sflag:s0] =	ssyncadd.s32 @!p3 $0xFFFFE000  }
0x130: {  	p2 =	sle.u32 @!p3 s6, s7;
	_ =	swait.ge @!p3 [sflag:s0], $0x200  }
0x131: {  	p4 =	por p2, p3;
	[sflag:s0] =	ssyncset.done @!p3 $0x0  }
0x132: {  	[sflag:s0] =	ssyncadd.s32 @!p3 $0xFFFFFE00;
	s0 =	simm.s32 @!p4 $0x4  }
0x133: {  	_ =	swait.ge @!p4 [sflag:s0], $0x2000  }
0x134: {  	s11 =	simm.s32 @!p3 $0x19320;
	s7 =	simm.s32 @!p4 $0x1B320;
	[sflag:s0] =	ssyncset.done @!p4 $0x0  }
0x135: {  	s20 =	simm.s32 @!p4 $0x0;
	[sflag:s0] =	ssyncadd.s32 @!p4 $0xFFFFE000;
	s0 =	sadd.s32 @!p4 $0xFFFFFC00, s8  }
0x136: {  	[tilespmem:s7], [sflag:$0x2] =	stream.linear.gather @!p4 [hbm4b:s0+s20], $0x2000, $0x38;
	[tilespmem:$0x1D720] =	vst v63  }
0x137: {  	p2 =	sge.u32 s12, s9;
	s0 =	sadd.s32 @!p4 $0xFFFFFFC0, s17;
	s7 =	simm.s32 @!p4 $0x1D520  }
0x138: {  	[tilespmem:s7], [sflag:$0x2] =	stream.linear.gather @!p4 [hbm4b:s0+s20], $0x200, $0x38;
	[tilespmem:$0x1D720] =	vst v63  }
0x139: {  	s12 =	simm.s32 @!p2 $0x2;
	s0 =	simm.s32 @!p3 $0x200;
	s7 =	simm.s32 @!p3 $0x1D320  }
0x13a: {  	[spmem:s2] =	stream.indirect.scatter.add.f32 @!p3 [tilespmem:s11], [sflag:$0x3], $0x10, s7, s0, $0xb8;
	[tilespmem:$0x1D720] =	vst v63  }
0x13b: {  	_ =	swait.ge @!p2 [sflag:s12], $0x2000  }
0x13c: {  	[sflag:s12] =	ssyncset.done @!p2 $0x0  }
0x13d: {  	[sflag:s12] =	ssyncadd.s32 @!p2 $0xFFFFE000  }
0x13e: {  	p3 =	sle.u32 @!p2 s6, s10;
	_ =	swait.ge @!p2 [sflag:s12], $0x200  }
0x13f: {  	p3 =	por p3, p2;
	[sflag:s12] =	ssyncset.done @!p2 $0x0  }
0x140: {  	s0 =	simm.s32 @!p3 $0x3;
	[sflag:s12] =	ssyncadd.s32 @!p2 $0xFFFFFE00  }
0x141: {  	_ =	swait.ge @!p3 [sflag:s0], $0x2000  }
0x142: {  	[sflag:s0] =	ssyncset.done @!p3 $0x0  }
0x143: {  	s7 =	simm.s32 @!p3 $0x19320;
	[sflag:s0] =	ssyncadd.s32 @!p3 $0xFFFFE000;
	s0 =	simm.s32 @!p3 $0x0  }
0x144: {  	[tilespmem:s7], [sflag:$0x1] =	stream.linear.gather @!p3 [hbm4b:s8+s0], $0x2000, $0x38;
	[tilespmem:$0x1D720] =	vst v63  }
0x145: {  	s7 =	simm.s32 @!p3 $0x1D320  }
0x146: {  	[tilespmem:s7], [sflag:$0x1] =	stream.linear.gather @!p3 [hbm4b:s17+s0], $0x200, $0x38;
	[tilespmem:$0x1D720] =	vst v63  }
0x147: {  	s8 =	simm.s32 @!p2 $0x1B320;
	s0 =	simm.s32 @!p2 $0x200;
	s7 =	simm.s32 @!p2 $0x1D520  }
0x148: {  	[spmem:s2] =	stream.indirect.scatter.add.f32 @!p2 [tilespmem:s8], [sflag:$0x4], $0x10, s7, s0, $0xb8;
	[tilespmem:$0x1D720] =	vst v63  }
0x149: {  	_ =	swait.ge [sflag:s13], $0x2000  }
0x14a: {  	[sflag:s13] =	ssyncset.done $0x0  }
0x14b: {  	[sflag:s13] =	ssyncadd.s32 $0xFFFFE000  }
.Ltmp17:
0x14c: {  	_ =	swait.ge [sflag:s15], $0x2000;
	(pc) =	sbr.rel @p1 .LBB2_24-.Ltmp17, $3  }
0x14d: {  	[sflag:s15] =	ssyncset.done $0x0  }
0x14e: {  	[sflag:s15] =	ssyncadd.s32 $0xFFFFE000  }
0x14f: {  	[bflag:$0x0] =	sbarrier.arrive $0xFFFF;
	_ =	sdelay $0x1  }
0x150: {  	[tilespmem:s24], [sflag:$0x5] =	stream.linear.gather [spmem:s19], $0xC80, $0x38;
	[tilespmem:$0x1D720] =	vst v63  }
0x151: {  	_ =	swait.ge [sflag:s25], $0xC80  }
0x152: {  	p2 =	seq.s32 s18, $0x1;
	s8 =	rddreg [dreg:$0x10]  }
.Ltmp18:
0x153: {  	[sflag:s25] =	ssyncset.done $0x0;
	s0 =	sshrl.u32 s8, $0x3;
	(pc) =	sbr.rel @p2 .LBB2_12-.Ltmp18, $4  }
0x154: {  	[sflag:s25] =	ssyncadd.s32 $0xFFFFF380;
	s0 =	sadd.s32 s1, s0  }
0x155: {  	[hbm4b:s0+s3] =	stream.linear.scatter [tilespmem:s24], [sflag:$0x5], $0xC80, $0x38;
	[tilespmem:$0x1D720] =	vst v63  }
0x156: {  	_ =	swait.ge [sflag:s25], $0xC80  }
0x157: {  	s7 =	sadd.s32 $0xFFFFFFFF, s18;
	s10 =	smov.u32 s19;
	[sflag:s25] =	ssyncset.done $0x0  }
.LBB2_11:
0x158: {  	[sflag:s25] =	ssyncadd.s32 $0xFFFFF380;
	s8 =	sadd.s32 $0xC80, s8;
	s10 =	sadd.s32 $0xC80, s10  }
0x159: {  	[tilespmem:s24], [sflag:$0x5] =	stream.linear.gather [spmem:s10], $0xC80, $0x38;
	[tilespmem:$0x1D720] =	vst v63  }
0x15a: {  	p2 =	seq.s32 s7, $0x1;
	s7 =	sadd.s32 $0xFFFFFFFF, s7;
	_ =	swait.ge [sflag:s25], $0xC80  }
.Ltmp19:
0x15b: {  	s0 =	sshrl.u32 s8, $0x3;
	[sflag:s25] =	ssyncset.done $0x0;
	(pc) =	sbr.rel @!p2 .LBB2_11-.Ltmp19, $4  }
0x15c: {  	s0 =	sadd.s32 s1, s0;
	[sflag:s25] =	ssyncadd.s32 $0xFFFFF380  }
0x15d: {  	[hbm4b:s0+s3] =	stream.linear.scatter [tilespmem:s24], [sflag:$0x5], $0xC80, $0x38;
	[tilespmem:$0x1D720] =	vst v63  }
0x15e: {  	_ =	swait.ge [sflag:s25], $0xC80  }
0x15f: {  	[sflag:s25] =	ssyncset.done $0x0  }
.LBB2_12:
.Ltmp20:
0x160: {  	(pc) =	sbr.rel .LBB2_24-.Ltmp20, $2  }
0x161: {  	_ =	sdelay $0x2  }
0x162: {  	[sflag:s25] =	ssyncadd.s32 $0xFFFFF380  }
.LBB2_25:
0x163: {  	_ =	sfence.sel $0x180000  }
0x164: {  	[bflag:$0x0] =	sbarrier.arrive $0xFFFF  }
0x165: {  	_ =	strace $0x9000004A  }
0x166: {  	s0 =	stileid.u32;
	[bflag:$0x2] =	sbarrier.arrive $0xFFFF  }
0x167: {  	p0 =	sne.s32 s0, $0x0;
	s0 =	rddreg [dreg:$0x5]  }
0x168: {  	s0 =	sadd.s32 @!p0 $0x100000, s0  }
0x169: {  	[sflag:s0] =	ssyncadd.tile.s32 @!p0 $0x1;
	_ =	shalt  }
.Lfunc_end2:
_tile_overlayer_lowered:
.L_overlay_start_2:
0x16a: {  	(tag) =	ssettag $0x2  }
0x16b: {  	s0 =	rddreg [dreg:$0x0];
	s2 =	stileid.u32  }
0x16c: {  	s1 =	rddreg [dreg:$0x1];
	p0 =	sne.s32 s2, $0x0  }
0x16d: {  	s3 =	rddreg [dreg:$0x2];
	[bflag:$0x3] =	sbarrier.arrive $0xFFFF;
	s2 =	simm.s32 @!p0 $0x1C05  }
0x16e: {  	[timem:s3], [sflag:s2] =	dma.local @!p0 [hbm:s0], s1  }
0x16f: {  	s0 =	simm.s32 @!p0 $0x5  }
0x170: {  	_ =	swait.ge @!p0 [sflag:s0], s1  }
0x171: {  	s1 =	ssub.s32 @!p0 $0x0, s1;
	[sflag:s0] =	ssyncset.done @!p0 $0x0  }
0x172: {  	[sflag:s0] =	ssyncadd.s32 @!p0 s1  }
0x173: {  	[bflag:$0x3] =	sbarrier.arrive $0xFFFF  }
0x174: {  	_ =	shalt  }

// kernel: sparse-core-data-format-call.cloned.1.call-start
scs
called_computation_lowered:
.L_overlay_start_0:
0x0: {  	s1 =	sld [smem:$0x3FD9]  }
0x1: {  	s2 =	sld [smem:$0x3FFE];
	_ =	sdelay $0x1  }
0x2: {  	s3 =	srdreg.scid  }
0x3: {  	s0 =	sand.u32 $0x1, s3  }
0x4: {  	s17 =	sshll.u32 s0, $0xA;
	s1 =	sadd.s32 s2, s1  }
0x5: {  	s1 =	sadd.s32 s1, s17  }
0x6: {  	[smem:$0x3FB1] =	sst s1  }
0x7: {  	_ = 	snop  }
0x8: {  	(tm) =	ssettm $0x1  }
0x9: {  	s18 =	sld [smem:$0x3FFB];
	_ =	sdelay $0x3  }
0xa: {  	_ =	strace s18  }
0xb: {  	s1 =	sld [smem:$0x3FFC];
	_ =	sdelay $0x3  }
0xc: {  	_ =	strace s1  }
0xd: {  	s1 =	sld [smem:$0x3FFD];
	_ =	sdelay $0x3  }
0xe: {  	_ =	strace s1  }
0xf: {  	_ =	strace $0x8FFFFFFF  }
0x10: {  	s19 =	sld [smem:$0x3FDB];
	_ =	sdelay $0x1  }
0x11: {  	s20 =	simm.s32 $_scs_section_size  }
0x12: {  	s4 =	simm.s32 $_size__tile_overlayer_lowered;
	s5 =	simm.s32 $_tile_overlayer_lowered  }
0x13: {  	s23 =	simm.s32 $0x1BFF;
	s22 =	sshll.u32 s5, $0x1;
	s1 =	sadd.s32 s20, s19  }
0x14: {  	s6 =	simm.s32 $0x0;
	s21 =	sshll.u32 s4, $0x1;
	s4 =	sadd.s32 s22, s1  }
0x15: {  	[timem:s6], [sflag:s23] =	dma.local [hbm:s4], s21  }
0x16: {  	_ =	swait.ge [sflag:s23], s21  }
0x17: {  	s2 =	ssub.s32 $0x0, s21;
	[sflag:s23] =	ssyncset.done $0x0  }
0x18: {  	[sflag:s23] =	ssyncadd.s32 s2;
	_ =	sdelay $0x1  }
0x19: {  	s24 =	simm.s32 $0x1B8B  }
0x1a: {  	_ =	swait.ge [sflag:s24], $0x1  }
0x1b: {  	[sflag:s24] =	ssyncset.done $0x0  }
0x1c: {  	s26 =	simm.s32 $0x1B8E;
	s25 =	sld [smem:$0x3FFE];
	[sflag:s24] =	ssyncadd.s32 $0xFFFFFFFF  }
0x1d: {  	s27 =	simm.s32 $execute0_lowered;
	[smem:$0x3FD2] =	sst s26  }
0x1e: {  	s4 =	sshll.u32 s27, $0x1;
	_ =	strace $0x80000046;
	[dreg:$0x1] =	wrdreg $0xFFFFFFFF  }
0x1f: {  	s28 =	simm.s32 $_size_execute0_lowered;
	s1 =	sadd.s32 s1, s4;
	[dreg:$0x0] =	wrdreg $0x0  }
0x20: {  	s4 =	sshll.u32 s28, $0x1;
	[dreg:$0x2] =	wrdreg s1  }
0x21: {  	[dreg:$0x3] =	wrdreg s4  }
0x22: {  	[dreg:$0x4] =	wrdreg $0xC0  }
0x23: {  	_ =	task [dreg:s6], $0x5FFFF  }
0x24: {  	[dreg:$0x1] =	wrdreg $0xFFFFFFFF  }
0x25: {  	[dreg:$0x0] =	wrdreg $0x60  }
0x26: {  	[dreg:$0x2] =	wrdreg s25  }
0x27: {  	[dreg:$0x3] =	wrdreg $0x9  }
0x28: {  	_ =	task.clear_ibuf [dreg:s6], $0x4FFFF;
	_ =	strace $0x90000046  }
0x29: {  	s29 =	simm.s32 $0x9;
	_ =	strace $0x80000048  }
0x2a: {  	_ =	swait.ge [sflag:s29], $0x1  }
0x2b: {  	[sflag:s29] =	ssyncadd.s32 $0xFFFFFFFF  }
0x2c: {  	_ =	strace $0x90000048  }
0x2d: {  	_ =	sfence  }
0x2e: {  	s30 =	sld [smem:$0x0];
	_ =	sdelay $0x2  }
0x2f: {  	s31 =	sshll.u32 s3, $0xD;
	s3 =	sshrl.u32 s3, $0x2  }
0x30: {  	s2 =	sand.u32 $0x4000, s31;
	s1 =	sadd.s32 s3, s30  }
0x31: {  	s0 =	sor.u32 s2, s0;
	s1 =	sshll.u32 s1, $0x11  }
0x32: {  	s0 =	sor.u32 s1, s0  }
0x33: {  	s0 =	sadd.s32 $0x8F2B, s0  }
0x34: {  	[sflag:s0] =	ssyncadd.remote.s32 $0x1  }
0x35: {  	_ =	sfence.sel $0xFFFF  }
0x36: {  	[dreg:$0x0] =	wrdreg $0xFFFFFFFF;
	(pc) =	sbr.abs _section_cstart, $3  }
0x37: {  	[dreg:$0x1] =	wrdreg $0xFFFFFFFF  }
0x38: {  	_ =	task.clear_ibuf [dreg:s6], $0x2FFFF;
	_ =	strace $0x9FFFFFFF  }
0x39: {  	(tm) =	ssettm $0x7FFFFFFF  }
tec
execute0_lowered:
.L_overlay_start_1:
0x0: {  	(tag) =	ssettag $0x1  }
0x1: {  	s0 =	srdreg.scid;
	s4 =	rddreg [dreg:$0x0]  }
0x2: {  	s1 =	stileid.u32;
	s5 =	simm.s32 $0x1;
	s7 =	simm.s32 $0x2  }
0x3: {  	s8 =	simm.s32 $0x0;
	s9 =	simm.s32 $0x0;
	s2 =	sshll.u32 s0, $0x4  }
.Ltmp0:
0x4: {  	s12 =	simm.s32 $0x0;
	s3 =	sand.u32 $0x10, s2;
	(pc) =	sbr.rel .LBB1_1-.Ltmp0, $4  }
0x5: {  	s11 =	simm.s32 $0x0;
	s0 =	rddreg [dreg:$0x1];
	s3 =	sor.u32 s1, s3  }
0x6: {  	_ =	strace $0x80000047;
	s2 =	sadd.s32 $0x2000, s4;
	s6 =	ssub.s32 $0xC54, s3  }
0x7: {  	s4 =	sadd.s32 $0x61C800, s4;
	[sflag:s5] =	ssyncpa.u1 $0x0;
	s6 =	sshrl.u32 s6, $0x5  }
0x8: {  	[sflag:s7] =	ssyncpa.u1 $0x0;
	s10 =	smov.u32 s3;
	s7 =	sadd.s32 $0x1, s6  }
.LBB1_7:
0x9: {  	s14 =	sadd.s32 $0x20, s10  }
0xa: {  	p1 =	sgt.s32 s14, $0xC34  }
0xb: {  	s14 =	smov.u32 @p1 s3;
	p1 =	sne.s32 s11, s7  }
.Ltmp1:
0xc: {  	p0 =	slt.u32 s11, $0x2;
	(pc) =	sbr.rel @!p1 .LBB1_8-.Ltmp1, $4  }
0xd: {  	s13 =	simm.s32 @!p0 $0x2  }
0xe: {  	s15 =	sadd.s32 $0x1, s11;
	_ =	swait.ge @!p0 [sflag:s13], $0x4000  }
0xf: {  	s12 =	smov.u32 s10;
	s9 =	sadd.s32 $0x4000, s9;
	[sflag:s13] =	ssyncset.done @!p0 $0x0  }
0x10: {  	s11 =	smov.u32 s15;
	s10 =	smov.u32 s14;
	[sflag:s13] =	ssyncadd.s32 @!p0 $0xFFFFC000  }
.LBB1_1:
0x11: {  	p0 =	sge.u32 s11, s6  }
0x12: {  	s13 =	sxor.u32 @!p0 $0xFFFFFFFF, s11  }
0x13: {  	s31 =	sadd.s32 $0xFFFFFFFF, s11;
	s14 =	sshll.u32 @!p0 s10, $0xB;
	s13 =	sshll.u32 @!p0 s13, $0xE  }
0x14: {  	s15 =	simm.s32 @!p0 $0x0;
	s14 =	sadd.s32 @!p0 s2, s14;
	s13 =	sand.u32 @!p0 $0x4000, s13  }
0x15: {  	[tilespmem:s13], [sflag:$0x1] =	stream.linear.gather @!p0 [hbm4b:s14+s15], $0x4000, $0x38;
	[tilespmem:$0x10000] =	vst v63  }
0x16: {  	p0 =	sge.u32 s31, s6  }
.Ltmp2:
0x17: {  	_ = 	snop;
	(pc) =	sbr.rel @p0 .LBB1_7-.Ltmp2, $1  }
0x18: {  	_ =	sdelay $0x3  }
0x19: {  	s14 =	sand.u32 $0x4000, s9  }
0x1a: {  	_ =	swait.ge [sflag:s5], $0x4000;
	s15 =	sshll.u32 s11, $0xE;
	s16 =	simm.s32 $0x0  }
0x1b: {  	s13 =	sor.u32 $0x8040, s14;
	[sflag:s5] =	ssyncset.done $0x0;
	s15 =	sand.u32 $0x4000, s15  }
0x1c: {  	s14 =	sor.u32 $0x40, s14;
	[sflag:s5] =	ssyncadd.s32 $0xFFFFC000;
	s15 =	sor.u32 $0x8000, s15  }
.LBB1_3:
0x1d: {  	v0 =	vmov s14;
	_ =	sdelay $0x3  }
0x1e: {  	s18 =	simm.s32 $0x0  }
0x1f: {  	v6 =	vld.idx.msk [tilespmem:v0+s18+$0x30 ss:$0x1], $0xffff  }
0x20: {  	v7 =	vld.idx.msk [tilespmem:v0+s18+$0xFFFFFFC0 ss:$0x1], $0xffff  }
0x21: {  	v5 =	vld.idx.msk [tilespmem:v0+s18+$0xFFFFFFD0 ss:$0x1], $0xffff  }
0x22: {  	v4 =	vld.idx.msk [tilespmem:v0+s18+$0xFFFFFFE0 ss:$0x1], $0xffff  }
0x23: {  	v3 =	vld.idx.msk [tilespmem:v0+s18+$0xFFFFFFF0 ss:$0x1], $0xffff  }
0x24: {  	v1 =	vld.idx.msk [tilespmem:v0+s18+$0x0 ss:$0x1], $0xffff  }
0x25: {  	v2 =	vld.idx.msk [tilespmem:v0+s18+$0x10 ss:$0x1], $0xffff;
	[tilespmem:s13+$0x30] =	vst v6  }
0x26: {  	s17 =	simm.s32 $0x80;
	s19 =	simm.s32 $0x400;
	[tilespmem:s13+$0xFFFFFFC0] =	vst v7;
	v6 =	vld.idx.msk [tilespmem:v0+s18+$0x20 ss:$0x1], $0xffff;
	s18 =	smov.u32 s13  }
.LBB1_4:
0x27: {  	p0 =	sne.s32 s19, $0xE00;
	v7 =	vld.idx.msk [tilespmem:v0+s17+$0x30 ss:$0x1], $0xffff;
	[tilespmem:s18+$0xFFFFFFD0] =	vst v5  }
0x28: {  	v8 =	vld.idx.msk [tilespmem:v0+s17+$0xFFFFFFC0 ss:$0x1], $0xffff;
	[tilespmem:s18+$0xFFFFFFE0] =	vst v4  }
0x29: {  	v5 =	vld.idx.msk [tilespmem:v0+s17+$0xFFFFFFD0 ss:$0x1], $0xffff;
	[tilespmem:s18+$0xFFFFFFF0] =	vst v3  }
.Ltmp3:
0x2a: {  	v4 =	vld.idx.msk [tilespmem:v0+s17+$0xFFFFFFE0 ss:$0x1], $0xffff;
	[tilespmem:s18+$0x0] =	vst v1;
	(pc) =	sbr.rel @p0 .LBB1_4-.Ltmp3, $4  }
0x2b: {  	v3 =	vld.idx.msk [tilespmem:v0+s17+$0xFFFFFFF0 ss:$0x1], $0xffff;
	[tilespmem:s18+$0x10] =	vst v2  }
0x2c: {  	v1 =	vld.idx.msk [tilespmem:v0+s17+$0x0 ss:$0x1], $0xffff;
	[tilespmem:s18+$0x20] =	vst v6;
	s18 =	sadd.s32 $0x800, s18  }
0x2d: {  	v2 =	vld.idx.msk [tilespmem:v0+s17+$0x10 ss:$0x1], $0xffff;
	[tilespmem:s18+$0x30] =	vst v7  }
0x2e: {  	[tilespmem:s18+$0xFFFFFFC0] =	vst v8;
	v6 =	vld.idx.msk [tilespmem:v0+s17+$0x20 ss:$0x1], $0xffff;
	s17 =	sshra.s32 s19, $0x2;
	s19 =	sadd.s32 $0x200, s19  }
0x2f: {  	_ =	sdelay $0x2  }
0x30: {  	[tilespmem:s18+$0xFFFFFFD0] =	vst v5  }
0x31: {  	v56 =	vld.idx.msk [tilespmem:v0+s17+$0x30 ss:$0x1], $0xffff;
	[tilespmem:s18+$0xFFFFFFE0] =	vst v4  }
0x32: {  	v57 =	vld.idx.msk [tilespmem:v0+s17+$0xFFFFFFC0 ss:$0x1], $0xffff;
	[tilespmem:s18+$0xFFFFFFF0] =	vst v3  }
0x33: {  	v58 =	vld.idx.msk [tilespmem:v0+s17+$0xFFFFFFD0 ss:$0x1], $0xffff;
	[tilespmem:s18+$0x0] =	vst v1  }
0x34: {  	v59 =	vld.idx.msk [tilespmem:v0+s17+$0xFFFFFFE0 ss:$0x1], $0xffff;
	[tilespmem:s18+$0x10] =	vst v2  }
0x35: {  	v60 =	vld.idx.msk [tilespmem:v0+s17+$0xFFFFFFF0 ss:$0x1], $0xffff;
	s31 =	sadd.s32 $0x800, s18;
	[tilespmem:s18+$0x20] =	vst v6  }
0x36: {  	v61 =	vld.idx.msk [tilespmem:v0+s17+$0x0 ss:$0x1], $0xffff;
	[tilespmem:s31+$0x30] =	vst v56  }
0x37: {  	v62 =	vld.idx.msk [tilespmem:v0+s17+$0x10 ss:$0x1], $0xffff;
	s16 =	sadd.s32 $0x1, s16;
	[tilespmem:s31+$0xFFFFFFC0] =	vst v57  }
0x38: {  	v63 =	vld.idx.msk [tilespmem:v0+s17+$0x20 ss:$0x1], $0xffff;
	p0 =	sne.s32 s16, $0x10;
	[tilespmem:s31+$0xFFFFFFD0] =	vst v58  }
.Ltmp4:
0x39: {  	[tilespmem:s31+$0xFFFFFFE0] =	vst v59;
	(pc) =	sbr.rel @p0 .LBB1_3-.Ltmp4, $4  }
0x3a: {  	[tilespmem:s31+$0xFFFFFFF0] =	vst v60  }
0x3b: {  	[tilespmem:s31+$0x0] =	vst v61  }
0x3c: {  	[tilespmem:s31+$0x10] =	vst v62  }
0x3d: {  	s13 =	sadd.s32 $0x80, s13;
	s14 =	sadd.s32 $0x400, s14;
	[tilespmem:s31+$0x20] =	vst v63  }
.Ltmp5:
0x3e: {  	(pc) =	sbr.rel .LBB1_7-.Ltmp5, $4  }
0x3f: {  	_ = 	snop  }
0x40: {  	s12 =	sshll.u32 s12, $0xB  }
0x41: {  	s12 =	sadd.s32 s4, s12  }
0x42: {  	[hbm4b:s12+s8] =	stream.linear.scatter [tilespmem:s15], [sflag:$0x2], $0x4000, $0x38;
	[tilespmem:$0x10000] =	vst v63  }
.LBB1_8:
0x43: {  	_ =	sfence.sel $0x180000  }
0x44: {  	s2 =	simm.s32 $0x1;
	[bflag:$0x0] =	sbarrier.arrive $0xFFFF  }
0x45: {  	s31 =	simm.s32 $0x2;
	[sflag:s2] =	ssyncpa.u1 $0x1  }
0x46: {  	[sflag:s31] =	ssyncpa.u1 $0x1  }
0x47: {  	p0 =	sne.s32 s1, $0x0;
	_ =	strace $0x90000047  }
0x48: {  	s0 =	sadd.s32 @!p0 $0x100000, s0;
	[bflag:$0x2] =	sbarrier.arrive $0xFFFF  }
0x49: {  	[sflag:s0] =	ssyncadd.tile.s32 @!p0 $0x1;
	_ =	shalt  }
.Lfunc_end1:
_tile_overlayer_lowered:
.L_overlay_start_2:
0x4a: {  	(tag) =	ssettag $0x2  }
0x4b: {  	s0 =	rddreg [dreg:$0x0];
	s2 =	stileid.u32  }
0x4c: {  	s1 =	rddreg [dreg:$0x1];
	p0 =	sne.s32 s2, $0x0  }
0x4d: {  	s3 =	rddreg [dreg:$0x2];
	[bflag:$0x3] =	sbarrier.arrive $0xFFFF;
	s2 =	simm.s32 @!p0 $0x1C01  }
0x4e: {  	[timem:s3], [sflag:s2] =	dma.local @!p0 [hbm:s0], s1  }
0x4f: {  	s0 =	simm.s32 @!p0 $0x1  }
0x50: {  	_ =	swait.ge @!p0 [sflag:s0], s1  }
0x51: {  	s1 =	ssub.s32 @!p0 $0x0, s1;
	[sflag:s0] =	ssyncset.done @!p0 $0x0  }
0x52: {  	[sflag:s0] =	ssyncadd.s32 @!p0 s1  }
0x53: {  	[bflag:$0x3] =	sbarrier.arrive $0xFFFF  }
0x54: {  	_ =	shalt  }

</sc_bundles>
